<compile_context>
chip_gen: v7x
topology: tpu7x:2x2x1
jax: 0.10.2.dev20260603
libtpu: 0.0.44.dev20260713+nightly
codegen_flags: <defaults>
</compile_context>

<pallas_src>
import functools

import jax
import jax.numpy as jnp
from jax import lax
from jax.experimental import pallas as pl
from jax.experimental.pallas import tpu as pltpu
from jax.experimental.pallas import tpu_sc as plsc

D_MODEL = 64
LANES = 16
SCALE = 8.0

NUM_CORES = 2
NUM_SUBCORES = 16
NUM_WORKERS = NUM_CORES * NUM_SUBCORES


def _build(B0, H):
    B = B0 * H
    batches_per_worker = B0 // NUM_WORKERS
    chunk = H
    chunk_pad = ((chunk + LANES - 1) // LANES) * LANES
    n_chunks = batches_per_worker
    per_worker = batches_per_worker * H

    mesh = plsc.VectorSubcoreMesh(core_axis_name="c", subcore_axis_name="s", num_cores=NUM_CORES, num_subcores=NUM_SUBCORES)

    @functools.partial(
        pl.kernel,
        mesh=mesh,
        compiler_params=pltpu.CompilerParams(use_tc_tiling_on_sc=True, needs_layout_passes=False),
        out_type=jax.ShapeDtypeStruct((B0, H, D_MODEL), jnp.float32),
        scratch_types=[
            [pltpu.VMEM((chunk_pad,), jnp.int32) for _ in range(2)],
            [pltpu.VMEM((chunk_pad,), jnp.int32) for _ in range(2)],
            [pltpu.VMEM((chunk, 2 * D_MODEL), jnp.float32) for _ in range(2)],
            [pltpu.VMEM((chunk, D_MODEL), jnp.float32) for _ in range(2)],
            [pltpu.SemaphoreType.DMA for _ in range(2)],
            [pltpu.SemaphoreType.DMA for _ in range(2)],
            [pltpu.SemaphoreType.DMA for _ in range(2)],
        ],
    )
    def run(x_hbm, pairs_hbm, out_hbm, idxs, hidxs, gbufs, obufs, sis, sgs, sos):
        wid = lax.axis_index("s") * NUM_CORES + lax.axis_index("c")
        base = wid * per_worker

        def idx_copy(c, p):
            return pltpu.make_async_copy(
                x_hbm.at[pl.ds(base + c * chunk, chunk)],
                idxs[p].at[pl.ds(0, chunk)], sis[p])

        def halve(p):
            @pl.loop(0, chunk_pad // LANES)
            def _(k):
                sl = pl.ds(k * LANES, LANES)
                hidxs[p][sl] = lax.shift_right_logical(idxs[p][sl], 1)

        def gather(p):
            return pltpu.make_async_copy(
                pairs_hbm.at[hidxs[p].at[pl.ds(0, chunk)]], gbufs[p], sgs[p])

        def writeout(c, p):
            return pltpu.make_async_copy(
                obufs[p], out_hbm.at[wid * n_chunks + c], sos[p])

        def select_scale(p):
            gbuf, obuf, idx = gbufs[p], obufs[p], idxs[p]

            @plsc.parallel_loop(0, chunk, unroll=4)
            def _(r):
                rv = lax.broadcast(r, (LANES,))
                iv = plsc.load_gather(idx, [rv])
                hi_mask = (iv & 1) > 0
                for j in range(D_MODEL // LANES):
                    lo = gbuf[r, pl.ds(j * LANES, LANES)]
                    hi = gbuf[r, pl.ds(D_MODEL + j * LANES, LANES)]
                    v = jnp.where(hi_mask, hi, lo) * SCALE
                    obuf[r, pl.ds(j * LANES, LANES)] = v

        idx_copy(0, 0).start()
        idx_copy(0, 0).wait()
        halve(0)
        gather(0).start()
        idx_copy(1, 1).start()

        @pl.loop(0, n_chunks // 2)
        def _pair(h):
            for p in range(2):
                c = 2 * h + p
                q = 1 - p

                gather(p).wait()

                @pl.when(c + 1 < n_chunks)
                def _():
                    idx_copy(c + 1, q).wait()
                    halve(q)
                    gather(q).start()

                @pl.when(c >= 2)
                def _():
                    writeout(c - 2, p).wait()

                select_scale(p)
                writeout(c, p).start()

                @pl.when(c + 2 < n_chunks)
                def _():
                    idx_copy(c + 2, p).start()

        writeout(n_chunks - 2, 0).wait()
        writeout(n_chunks - 1, 1).wait()

    return run


def kernel(x, table):
    B0, H = x.shape
    V = table.shape[0]
    xf = x.reshape(B0 * H).astype(jnp.int32)
    pairs = table.reshape(V // 2, 2 * D_MODEL)
    return _build(B0, H)(xf, pairs)

# --- scband reference (transcript-rebuilt; emitter-appended) ---
"""Pipeline reference for scband-text-embedding-4552665334052 (READ-ONLY COPY).

The authoritative reference and input builder live on the scoring server;
editing this copy changes nothing except your own understanding.
"""

import jax, jax.numpy as jnp
import numpy as np
import math

VOCAB_SIZE = 1000000
D_MODEL = 64
BATCH = 4096
HIST_LEN = 200

def setup_inputs(seed: int = 0) -> dict:
    key = jax.random.key(seed)
    k1, k2 = jax.random.split(key)
    x = jax.random.randint(k1, (BATCH, HIST_LEN), 0, VOCAB_SIZE, dtype=jnp.int64 if jax.config.jax_enable_x64 else jnp.int32)
    table = jax.random.normal(k2, (VOCAB_SIZE, D_MODEL), dtype=jnp.float32)
    return {"x": x, "table": table}

def reference(x, table):
    # nn.Embedding lookup followed by scaling with sqrt(d_model)
    emb = jnp.take(table, x, axis=0)
    return emb * math.sqrt(D_MODEL)

if __name__ == "__main__":
    import jax
    _d = setup_inputs()
    print(jax.jit(kernel)(*tuple(_d.values())))

</pallas_src>

<mosaic_0001>
#map = affine_map<(d0, d1) -> (0)>
#map1 = affine_map<(d0, d1) -> (0, 0)>
#map2 = affine_map<(d0, d1) -> (0, 0, 0)>
module attributes {stable_mosaic.version = 14 : i64} {
  func.func @run(%arg0: i32, %arg1: i32, %arg2: memref<819200xi32, #tpu.memory_space<hbm>>, %arg3: memref<500000x128xf32, #tpu.memory_space<hbm>>, %arg4: memref<4096x200x64xf32, #tpu.memory_space<hbm>>, %arg5: memref<208xi32, #tpu.memory_space<vmem>>, %arg6: memref<208xi32, #tpu.memory_space<vmem>>, %arg7: memref<208xi32, #tpu.memory_space<vmem>>, %arg8: memref<208xi32, #tpu.memory_space<vmem>>, %arg9: memref<200x128xf32, #tpu.memory_space<vmem>>, %arg10: memref<200x128xf32, #tpu.memory_space<vmem>>, %arg11: memref<200x64xf32, #tpu.memory_space<vmem>>, %arg12: memref<200x64xf32, #tpu.memory_space<vmem>>, %arg13: memref<!tpu.dma_semaphore, #tpu.memory_space<semaphore_mem>>, %arg14: memref<!tpu.dma_semaphore, #tpu.memory_space<semaphore_mem>>, %arg15: memref<!tpu.dma_semaphore, #tpu.memory_space<semaphore_mem>>, %arg16: memref<!tpu.dma_semaphore, #tpu.memory_space<semaphore_mem>>, %arg17: memref<!tpu.dma_semaphore, #tpu.memory_space<semaphore_mem>>, %arg18: memref<!tpu.dma_semaphore, #tpu.memory_space<semaphore_mem>>) attributes {dimension_semantics = [#tpu.dimension_semantics<core_parallel>, #tpu.dimension_semantics<subcore_parallel>], iteration_bounds = array<i64: 2, 16>, scalar_prefetch = 0 : i64, scratch_operands = 14 : i64, tpu.core_type = #tpu.core_type<sc_vector_subcore>, window_params = [{transform_indices = #map}, {transform_indices = #map1}, {transform_indices = #map2}]} {
    %mul3A = arith.constant 2 : i32
    %mul3A_0 = arith.muli %arg1, %mul3A : i32
    %add3A = arith.addi %mul3A_0, %arg0 : i32
    %mul3A_1 = arith.constant 25600 : i32
    %mul3A_2 = arith.muli %add3A, %mul3A_1 : i32
    %add3A_3 = arith.constant 0 : i32
    %add3A_4 = arith.addi %mul3A_2, %add3A_3 : i32
    %dma_start3A = arith.constant 0 : i32
    %dma_start3A_5 = tpu.memref_slice %arg5[%dma_start3A] : memref<208xi32, #tpu.memory_space<vmem>> -> memref<200xi32, #tpu.memory_space<vmem>>
    %dma_start3A_6 = tpu.memref_slice %arg2[%add3A_4] : memref<819200xi32, #tpu.memory_space<hbm>> -> memref<200xi32, #tpu.memory_space<hbm>>
    %dma_start3A_7 = arith.constant 0 : i32
    %dma_start3A_8 = tpu.memref_slice %arg5[%dma_start3A_7] : memref<208xi32, #tpu.memory_space<vmem>> -> memref<200xi32, #tpu.memory_space<vmem>>
    %dma_start3A_9 = tpu.memref_slice %arg2[%add3A_4] : memref<819200xi32, #tpu.memory_space<hbm>> -> memref<200xi32, #tpu.memory_space<hbm>>
    tpu.enqueue_dma source(%dma_start3A_9 : memref<200xi32, #tpu.memory_space<hbm>>) target(%dma_start3A_8 : memref<200xi32, #tpu.memory_space<vmem>>) target_semaphore(%arg13 : memref<!tpu.dma_semaphore, #tpu.memory_space<semaphore_mem>>)
    %add3A_10 = arith.constant 0 : i32
    %add3A_11 = arith.addi %mul3A_2, %add3A_10 : i32
    %dma_wait3A = arith.constant 0 : i32
    %dma_wait3A_12 = tpu.memref_slice %arg5[%dma_wait3A] : memref<208xi32, #tpu.memory_space<vmem>> -> memref<200xi32, #tpu.memory_space<vmem>>
    %dma_wait3A_13 = tpu.memref_slice %arg2[%add3A_11] : memref<819200xi32, #tpu.memory_space<hbm>> -> memref<200xi32, #tpu.memory_space<hbm>>
    %dma_wait3A_14 = arith.constant 0 : i32
    %dma_wait3A_15 = tpu.memref_slice %arg5[%dma_wait3A_14] : memref<208xi32, #tpu.memory_space<vmem>> -> memref<200xi32, #tpu.memory_space<vmem>>
    %dma_wait3A_16 = tpu.memref_slice %arg2[%add3A_11] : memref<819200xi32, #tpu.memory_space<hbm>> -> memref<200xi32, #tpu.memory_space<hbm>>
    tpu.wait_dma2 semaphore(%arg13 : memref<!tpu.dma_semaphore, #tpu.memory_space<semaphore_mem>>) src(%dma_wait3A_16 : memref<200xi32, #tpu.memory_space<hbm>>) dst(%dma_wait3A_15 : memref<200xi32, #tpu.memory_space<vmem>>)
    %scan3A = arith.constant 0 : i32
    %scan3A_17 = arith.constant 13 : i32
    %scan3A_18 = arith.addi %scan3A, %scan3A_17 : i32
    %scan3A_19 = arith.constant 1 : i32
    scf.for %scan3A_63 = %scan3A to %scan3A_18 step %scan3A_19  : i32 {
      %mul3A_64 = arith.constant 1 : i32
      %mul3A_65 = arith.muli %scan3A_63, %mul3A_64 : i32
      %add3A_66 = arith.constant 0 : i32
      %add3A_67 = arith.addi %add3A_66, %mul3A_65 : i32
      %mul3A_68 = arith.constant 16 : i32
      %mul3A_69 = arith.muli %add3A_67, %mul3A_68 : i32
      %get3A = arith.index_cast %mul3A_69 : i32 to index
      %get3A_70 = tpu.vector_load %arg5[%get3A] {strides = array<i32>} : memref<208xi32, #tpu.memory_space<vmem>>, vector<16xi32>,
      %shift_right_logical3A = arith.constant 1 : i32
      %shift_right_logical3A_71 = vector.broadcast %shift_right_logical3A : i32 to vector<16xi32>
      %shift_right_logical3A_72 = arith.shrui %get3A_70, %shift_right_logical3A_71 : vector<16xi32>
      %swap3A = arith.index_cast %mul3A_69 : i32 to index
      %swap3A_73 = tpu.vector_load %arg7[%swap3A] {strides = array<i32>} : memref<208xi32, #tpu.memory_space<vmem>>, vector<16xi32>,
      tpu.vector_store %arg7[%swap3A], %shift_right_logical3A_72 {strides = array<i32>} : memref<208xi32, #tpu.memory_space<vmem>>, vector<16xi32>,
    }
    %scan3A_20 = arith.constant 13 : i32
    %dma_start3A_21 = arith.constant 0 : i32
    %dma_start3A_22 = tpu.memref_slice %arg7[%dma_start3A_21] : memref<208xi32, #tpu.memory_space<vmem>> -> memref<200xi32, #tpu.memory_space<vmem>>
    %dma_start3A_23 = arith.constant 0 : i32
    %dma_start3A_24 = arith.constant 0 : i32
    %dma_start3A_25 = tpu.memref_slice %arg3[%dma_start3A_23, %dma_start3A_24] : memref<500000x128xf32, #tpu.memory_space<hbm>> -> memref<500000x128xf32, #tpu.memory_space<hbm>>
    tpu.enqueue_indirect_dma source(%dma_start3A_25 : memref<500000x128xf32, #tpu.memory_space<hbm>>) target(%arg9 : memref<200x128xf32, #tpu.memory_space<vmem>>) offsets(%dma_start3A_22 : memref<200xi32, #tpu.memory_space<vmem>>) semaphore(%arg15 : memref<!tpu.dma_semaphore, #tpu.memory_space<semaphore_mem>>)
    %add3A_26 = arith.constant 200 : i32
    %add3A_27 = arith.addi %mul3A_2, %add3A_26 : i32
    %dma_start3A_28 = arith.constant 0 : i32
    %dma_start3A_29 = tpu.memref_slice %arg6[%dma_start3A_28] : memref<208xi32, #tpu.memory_space<vmem>> -> memref<200xi32, #tpu.memory_space<vmem>>
    %dma_start3A_30 = tpu.memref_slice %arg2[%add3A_27] : memref<819200xi32, #tpu.memory_space<hbm>> -> memref<200xi32, #tpu.memory_space<hbm>>
    %dma_start3A_31 = arith.constant 0 : i32
    %dma_start3A_32 = tpu.memref_slice %arg6[%dma_start3A_31] : memref<208xi32, #tpu.memory_space<vmem>> -> memref<200xi32, #tpu.memory_space<vmem>>
    %dma_start3A_33 = tpu.memref_slice %arg2[%add3A_27] : memref<819200xi32, #tpu.memory_space<hbm>> -> memref<200xi32, #tpu.memory_space<hbm>>
    tpu.enqueue_dma source(%dma_start3A_33 : memref<200xi32, #tpu.memory_space<hbm>>) target(%dma_start3A_32 : memref<200xi32, #tpu.memory_space<vmem>>) target_semaphore(%arg14 : memref<!tpu.dma_semaphore, #tpu.memory_space<semaphore_mem>>)
    %scan3A_34 = arith.constant 0 : i32
    %scan3A_35 = arith.constant 64 : i32
    %scan3A_36 = arith.addi %scan3A_34, %scan3A_35 : i32
    %scan3A_37 = arith.constant 1 : i32
    scf.for %scan3A_63 = %scan3A_34 to %scan3A_36 step %scan3A_37  : i32 {
      %mul3A_64 = arith.constant 1 : i32
      %mul3A_65 = arith.muli %scan3A_63, %mul3A_64 : i32
      %add3A_66 = arith.constant 0 : i32
      %add3A_67 = arith.addi %add3A_66, %mul3A_65 : i32
      %mul3A_68 = arith.constant 2 : i32
      %mul3A_69 = arith.muli %mul3A_68, %add3A_67 : i32
      %add3A_70 = arith.constant 0 : i32
      %add3A_71 = arith.addi %mul3A_69, %add3A_70 : i32
      %dma_wait3A_72 = arith.constant 0 : i32
      %dma_wait3A_73 = tpu.memref_slice %arg7[%dma_wait3A_72] : memref<208xi32, #tpu.memory_space<vmem>> -> memref<200xi32, #tpu.memory_space<vmem>>
      %dma_wait3A_74 = arith.constant 0 : i32
      %dma_wait3A_75 = arith.constant 0 : i32
      %dma_wait3A_76 = tpu.memref_slice %arg3[%dma_wait3A_74, %dma_wait3A_75] : memref<500000x128xf32, #tpu.memory_space<hbm>> -> memref<500000x128xf32, #tpu.memory_space<hbm>>
      tpu.wait_indirect_dma semaphore(%arg15 : memref<!tpu.dma_semaphore, #tpu.memory_space<semaphore_mem>>) src(%dma_wait3A_76 : memref<500000x128xf32, #tpu.memory_space<hbm>>) dst(%arg9 : memref<200x128xf32, #tpu.memory_space<vmem>>)
      %add3A_77 = arith.constant 1 : i32
      %add3A_78 = arith.addi %add3A_71, %add3A_77 : i32
      %lt3A = arith.constant 128 : i32
      %lt3A_79 = arith.cmpi slt, %add3A_78, %lt3A : i32
      %convert_element_type3A = arith.extui %lt3A_79 : i1 to i32
      %cond3A = arith.constant 0 : i32
      %cond3A_80 = arith.cmpi ne, %convert_element_type3A, %cond3A : i32
      scf.if %cond3A_80 {
        %add3A_147 = arith.constant 1 : i32
        %add3A_148 = arith.addi %add3A_71, %add3A_147 : i32
        %mul3A_149 = arith.constant 200 : i32
        %mul3A_150 = arith.muli %add3A_148, %mul3A_149 : i32
        %add3A_151 = arith.addi %mul3A_2, %mul3A_150 : i32
        %dma_wait3A_152 = arith.constant 0 : i32
        %dma_wait3A_153 = tpu.memref_slice %arg6[%dma_wait3A_152] : memref<208xi32, #tpu.memory_space<vmem>> -> memref<200xi32, #tpu.memory_space<vmem>>
        %dma_wait3A_154 = tpu.memref_slice %arg2[%add3A_151] : memref<819200xi32, #tpu.memory_space<hbm>> -> memref<200xi32, #tpu.memory_space<hbm>>
        %dma_wait3A_155 = arith.constant 0 : i32
        %dma_wait3A_156 = tpu.memref_slice %arg6[%dma_wait3A_155] : memref<208xi32, #tpu.memory_space<vmem>> -> memref<200xi32, #tpu.memory_space<vmem>>
        %dma_wait3A_157 = tpu.memref_slice %arg2[%add3A_151] : memref<819200xi32, #tpu.memory_space<hbm>> -> memref<200xi32, #tpu.memory_space<hbm>>
        tpu.wait_dma2 semaphore(%arg14 : memref<!tpu.dma_semaphore, #tpu.memory_space<semaphore_mem>>) src(%dma_wait3A_157 : memref<200xi32, #tpu.memory_space<hbm>>) dst(%dma_wait3A_156 : memref<200xi32, #tpu.memory_space<vmem>>)
        %scan3A_158 = arith.constant 0 : i32
        %scan3A_159 = arith.constant 13 : i32
        %scan3A_160 = arith.addi %scan3A_158, %scan3A_159 : i32
        %scan3A_161 = arith.constant 1 : i32
        scf.for %scan3A_168 = %scan3A_158 to %scan3A_160 step %scan3A_161  : i32 {
          %mul3A_169 = arith.constant 1 : i32
          %mul3A_170 = arith.muli %scan3A_168, %mul3A_169 : i32
          %add3A_171 = arith.constant 0 : i32
          %add3A_172 = arith.addi %add3A_171, %mul3A_170 : i32
          %mul3A_173 = arith.constant 16 : i32
          %mul3A_174 = arith.muli %add3A_172, %mul3A_173 : i32
          %get3A = arith.index_cast %mul3A_174 : i32 to index
          %get3A_175 = tpu.vector_load %arg6[%get3A] {strides = array<i32>} : memref<208xi32, #tpu.memory_space<vmem>>, vector<16xi32>,
          %shift_right_logical3A = arith.constant 1 : i32
          %shift_right_logical3A_176 = vector.broadcast %shift_right_logical3A : i32 to vector<16xi32>
          %shift_right_logical3A_177 = arith.shrui %get3A_175, %shift_right_logical3A_176 : vector<16xi32>
          %swap3A = arith.index_cast %mul3A_174 : i32 to index
          %swap3A_178 = tpu.vector_load %arg8[%swap3A] {strides = array<i32>} : memref<208xi32, #tpu.memory_space<vmem>>, vector<16xi32>,
          tpu.vector_store %arg8[%swap3A], %shift_right_logical3A_177 {strides = array<i32>} : memref<208xi32, #tpu.memory_space<vmem>>, vector<16xi32>,
        }
        %scan3A_162 = arith.constant 13 : i32
        %dma_start3A_163 = arith.constant 0 : i32
        %dma_start3A_164 = tpu.memref_slice %arg8[%dma_start3A_163] : memref<208xi32, #tpu.memory_space<vmem>> -> memref<200xi32, #tpu.memory_space<vmem>>
        %dma_start3A_165 = arith.constant 0 : i32
        %dma_start3A_166 = arith.constant 0 : i32
        %dma_start3A_167 = tpu.memref_slice %arg3[%dma_start3A_165, %dma_start3A_166] : memref<500000x128xf32, #tpu.memory_space<hbm>> -> memref<500000x128xf32, #tpu.memory_space<hbm>>
        tpu.enqueue_indirect_dma source(%dma_start3A_167 : memref<500000x128xf32, #tpu.memory_space<hbm>>) target(%arg10 : memref<200x128xf32, #tpu.memory_space<vmem>>) offsets(%dma_start3A_164 : memref<200xi32, #tpu.memory_space<vmem>>) semaphore(%arg16 : memref<!tpu.dma_semaphore, #tpu.memory_space<semaphore_mem>>)
      } else {
      }
      %ge3A = arith.constant 2 : i32
      %ge3A_81 = arith.cmpi sge, %add3A_71, %ge3A : i32
      %convert_element_type3A_82 = arith.extui %ge3A_81 : i1 to i32
      %cond3A_83 = arith.constant 0 : i32
      %cond3A_84 = arith.cmpi ne, %convert_element_type3A_82, %cond3A_83 : i32
      scf.if %cond3A_84 {
        %sub3A = arith.constant 2 : i32
        %sub3A_147 = arith.subi %add3A_71, %sub3A : i32
        %mul3A_148 = arith.constant 128 : i32
        %mul3A_149 = arith.muli %add3A, %mul3A_148 : i32
        %add3A_150 = arith.addi %mul3A_149, %sub3A_147 : i32
        %dma_wait3A_151 = arith.constant 0 : i32
        %dma_wait3A_152 = arith.constant 0 : i32
        %dma_wait3A_153 = tpu.memref_slice %arg4[%add3A_150, %dma_wait3A_151, %dma_wait3A_152] : memref<4096x200x64xf32, #tpu.memory_space<hbm>> -> memref<1x200x64xf32, #tpu.memory_space<hbm>>
        %dma_wait3A_154 = tpu.memref_squeeze %dma_wait3A_153 : memref<1x200x64xf32, #tpu.memory_space<hbm>> -> memref<200x64xf32, #tpu.memory_space<hbm>>
        %dma_wait3A_155 = arith.constant 0 : i32
        %dma_wait3A_156 = arith.constant 0 : i32
        %dma_wait3A_157 = tpu.memref_slice %arg4[%add3A_150, %dma_wait3A_155, %dma_wait3A_156] : memref<4096x200x64xf32, #tpu.memory_space<hbm>> -> memref<1x200x64xf32, #tpu.memory_space<hbm>>
        %dma_wait3A_158 = tpu.memref_squeeze %dma_wait3A_157 : memref<1x200x64xf32, #tpu.memory_space<hbm>> -> memref<200x64xf32, #tpu.memory_space<hbm>>
        tpu.wait_dma2 semaphore(%arg17 : memref<!tpu.dma_semaphore, #tpu.memory_space<semaphore_mem>>) src(%arg11 : memref<200x64xf32, #tpu.memory_space<vmem>>) dst(%dma_wait3A_158 : memref<200x64xf32, #tpu.memory_space<hbm>>)
      } else {
      }
      %parallel_loop3A = arith.constant 0 : i32
      %parallel_loop3A_85 = arith.constant 200 : i32
      %parallel_loop3A_86 = arith.constant 1 : i32
      scf.for %parallel_loop3A_147 = %parallel_loop3A to %parallel_loop3A_85 step %parallel_loop3A_86  : i32 {
        %parallel_loop3A_148 = vector.broadcast %parallel_loop3A_147 : i32 to vector<16xi32>
        %parallel_loop3A_149 = tpu.vector_load_idx %arg5[%parallel_loop3A_148] : memref<208xi32, #tpu.memory_space<vmem>>[vector<16xi32>], vector<16xi32>,
        %parallel_loop3A_150 = arith.constant 1 : i32
        %parallel_loop3A_151 = vector.broadcast %parallel_loop3A_150 : i32 to vector<16xi32>
        %parallel_loop3A_152 = arith.andi %parallel_loop3A_149, %parallel_loop3A_151 : vector<16xi32>
        %parallel_loop3A_153 = arith.constant 0 : i32
        %parallel_loop3A_154 = vector.broadcast %parallel_loop3A_153 : i32 to vector<16xi32>
        %parallel_loop3A_155 = arith.cmpi sgt, %parallel_loop3A_152, %parallel_loop3A_154 : vector<16xi32>
        %parallel_loop3A_156 = arith.index_cast %parallel_loop3A_147 : i32 to index
        %parallel_loop3A_157 = arith.constant 0 : index
        %parallel_loop3A_158 = tpu.vector_load %arg9[%parallel_loop3A_156, %parallel_loop3A_157] {strides = array<i32>} : memref<200x128xf32, #tpu.memory_space<vmem>>, vector<16xf32>,
        %parallel_loop3A_159 = arith.index_cast %parallel_loop3A_147 : i32 to index
        %parallel_loop3A_160 = arith.constant 64 : index
        %parallel_loop3A_161 = tpu.vector_load %arg9[%parallel_loop3A_159, %parallel_loop3A_160] {strides = array<i32>} : memref<200x128xf32, #tpu.memory_space<vmem>>, vector<16xf32>,
        %parallel_loop3A_162 = arith.select %parallel_loop3A_155, %parallel_loop3A_161, %parallel_loop3A_158 : vector<16xi1>, vector<16xf32>
        %parallel_loop3A_163 = arith.constant 8.000000e+00 : f32
        %parallel_loop3A_164 = vector.broadcast %parallel_loop3A_163 : f32 to vector<16xf32>
        %parallel_loop3A_165 = arith.mulf %parallel_loop3A_162, %parallel_loop3A_164 : vector<16xf32>
        %parallel_loop3A_166 = arith.index_cast %parallel_loop3A_147 : i32 to index
        %parallel_loop3A_167 = arith.constant 0 : index
        %parallel_loop3A_168 = tpu.vector_load %arg11[%parallel_loop3A_166, %parallel_loop3A_167] {strides = array<i32>} : memref<200x64xf32, #tpu.memory_space<vmem>>, vector<16xf32>,
        tpu.vector_store %arg11[%parallel_loop3A_166, %parallel_loop3A_167], %parallel_loop3A_165 {strides = array<i32>} : memref<200x64xf32, #tpu.memory_space<vmem>>, vector<16xf32>,
        %parallel_loop3A_169 = arith.index_cast %parallel_loop3A_147 : i32 to index
        %parallel_loop3A_170 = arith.constant 16 : index
        %parallel_loop3A_171 = tpu.vector_load %arg9[%parallel_loop3A_169, %parallel_loop3A_170] {strides = array<i32>} : memref<200x128xf32, #tpu.memory_space<vmem>>, vector<16xf32>,
        %parallel_loop3A_172 = arith.index_cast %parallel_loop3A_147 : i32 to index
        %parallel_loop3A_173 = arith.constant 80 : index
        %parallel_loop3A_174 = tpu.vector_load %arg9[%parallel_loop3A_172, %parallel_loop3A_173] {strides = array<i32>} : memref<200x128xf32, #tpu.memory_space<vmem>>, vector<16xf32>,
        %parallel_loop3A_175 = arith.select %parallel_loop3A_155, %parallel_loop3A_174, %parallel_loop3A_171 : vector<16xi1>, vector<16xf32>
        %parallel_loop3A_176 = arith.constant 8.000000e+00 : f32
        %parallel_loop3A_177 = vector.broadcast %parallel_loop3A_176 : f32 to vector<16xf32>
        %parallel_loop3A_178 = arith.mulf %parallel_loop3A_175, %parallel_loop3A_177 : vector<16xf32>
        %parallel_loop3A_179 = arith.index_cast %parallel_loop3A_147 : i32 to index
        %parallel_loop3A_180 = arith.constant 16 : index
        %parallel_loop3A_181 = tpu.vector_load %arg11[%parallel_loop3A_179, %parallel_loop3A_180] {strides = array<i32>} : memref<200x64xf32, #tpu.memory_space<vmem>>, vector<16xf32>,
        tpu.vector_store %arg11[%parallel_loop3A_179, %parallel_loop3A_180], %parallel_loop3A_178 {strides = array<i32>} : memref<200x64xf32, #tpu.memory_space<vmem>>, vector<16xf32>,
        %parallel_loop3A_182 = arith.index_cast %parallel_loop3A_147 : i32 to index
        %parallel_loop3A_183 = arith.constant 32 : index
        %parallel_loop3A_184 = tpu.vector_load %arg9[%parallel_loop3A_182, %parallel_loop3A_183] {strides = array<i32>} : memref<200x128xf32, #tpu.memory_space<vmem>>, vector<16xf32>,
        %parallel_loop3A_185 = arith.index_cast %parallel_loop3A_147 : i32 to index
        %parallel_loop3A_186 = arith.constant 96 : index
        %parallel_loop3A_187 = tpu.vector_load %arg9[%parallel_loop3A_185, %parallel_loop3A_186] {strides = array<i32>} : memref<200x128xf32, #tpu.memory_space<vmem>>, vector<16xf32>,
        %parallel_loop3A_188 = arith.select %parallel_loop3A_155, %parallel_loop3A_187, %parallel_loop3A_184 : vector<16xi1>, vector<16xf32>
        %parallel_loop3A_189 = arith.constant 8.000000e+00 : f32
        %parallel_loop3A_190 = vector.broadcast %parallel_loop3A_189 : f32 to vector<16xf32>
        %parallel_loop3A_191 = arith.mulf %parallel_loop3A_188, %parallel_loop3A_190 : vector<16xf32>
        %parallel_loop3A_192 = arith.index_cast %parallel_loop3A_147 : i32 to index
        %parallel_loop3A_193 = arith.constant 32 : index
        %parallel_loop3A_194 = tpu.vector_load %arg11[%parallel_loop3A_192, %parallel_loop3A_193] {strides = array<i32>} : memref<200x64xf32, #tpu.memory_space<vmem>>, vector<16xf32>,
        tpu.vector_store %arg11[%parallel_loop3A_192, %parallel_loop3A_193], %parallel_loop3A_191 {strides = array<i32>} : memref<200x64xf32, #tpu.memory_space<vmem>>, vector<16xf32>,
        %parallel_loop3A_195 = arith.index_cast %parallel_loop3A_147 : i32 to index
        %parallel_loop3A_196 = arith.constant 48 : index
        %parallel_loop3A_197 = tpu.vector_load %arg9[%parallel_loop3A_195, %parallel_loop3A_196] {strides = array<i32>} : memref<200x128xf32, #tpu.memory_space<vmem>>, vector<16xf32>,
        %parallel_loop3A_198 = arith.index_cast %parallel_loop3A_147 : i32 to index
        %parallel_loop3A_199 = arith.constant 112 : index
        %parallel_loop3A_200 = tpu.vector_load %arg9[%parallel_loop3A_198, %parallel_loop3A_199] {strides = array<i32>} : memref<200x128xf32, #tpu.memory_space<vmem>>, vector<16xf32>,
        %parallel_loop3A_201 = arith.select %parallel_loop3A_155, %parallel_loop3A_200, %parallel_loop3A_197 : vector<16xi1>, vector<16xf32>
        %parallel_loop3A_202 = arith.constant 8.000000e+00 : f32
        %parallel_loop3A_203 = vector.broadcast %parallel_loop3A_202 : f32 to vector<16xf32>
        %parallel_loop3A_204 = arith.mulf %parallel_loop3A_201, %parallel_loop3A_203 : vector<16xf32>
        %parallel_loop3A_205 = arith.index_cast %parallel_loop3A_147 : i32 to index
        %parallel_loop3A_206 = arith.constant 48 : index
        %parallel_loop3A_207 = tpu.vector_load %arg11[%parallel_loop3A_205, %parallel_loop3A_206] {strides = array<i32>} : memref<200x64xf32, #tpu.memory_space<vmem>>, vector<16xf32>,
        tpu.vector_store %arg11[%parallel_loop3A_205, %parallel_loop3A_206], %parallel_loop3A_204 {strides = array<i32>} : memref<200x64xf32, #tpu.memory_space<vmem>>, vector<16xf32>,
      } {sc.loop_unroll_factor = 4 : i64, sc.parallel_access}
      %mul3A_87 = arith.constant 128 : i32
      %mul3A_88 = arith.muli %add3A, %mul3A_87 : i32
      %add3A_89 = arith.addi %mul3A_88, %add3A_71 : i32
      %dma_start3A_90 = arith.constant 0 : i32
      %dma_start3A_91 = arith.constant 0 : i32
      %dma_start3A_92 = tpu.memref_slice %arg4[%add3A_89, %dma_start3A_90, %dma_start3A_91] : memref<4096x200x64xf32, #tpu.memory_space<hbm>> -> memref<1x200x64xf32, #tpu.memory_space<hbm>>
      %dma_start3A_93 = tpu.memref_squeeze %dma_start3A_92 : memref<1x200x64xf32, #tpu.memory_space<hbm>> -> memref<200x64xf32, #tpu.memory_space<hbm>>
      %dma_start3A_94 = arith.constant 0 : i32
      %dma_start3A_95 = arith.constant 0 : i32
      %dma_start3A_96 = tpu.memref_slice %arg4[%add3A_89, %dma_start3A_94, %dma_start3A_95] : memref<4096x200x64xf32, #tpu.memory_space<hbm>> -> memref<1x200x64xf32, #tpu.memory_space<hbm>>
      %dma_start3A_97 = tpu.memref_squeeze %dma_start3A_96 : memref<1x200x64xf32, #tpu.memory_space<hbm>> -> memref<200x64xf32, #tpu.memory_space<hbm>>
      tpu.enqueue_dma source(%arg11 : memref<200x64xf32, #tpu.memory_space<vmem>>) target(%dma_start3A_97 : memref<200x64xf32, #tpu.memory_space<hbm>>) target_semaphore(%arg17 : memref<!tpu.dma_semaphore, #tpu.memory_space<semaphore_mem>>)
      %add3A_98 = arith.constant 2 : i32
      %add3A_99 = arith.addi %add3A_71, %add3A_98 : i32
      %lt3A_100 = arith.constant 128 : i32
      %lt3A_101 = arith.cmpi slt, %add3A_99, %lt3A_100 : i32
      %convert_element_type3A_102 = arith.extui %lt3A_101 : i1 to i32
      %cond3A_103 = arith.constant 0 : i32
      %cond3A_104 = arith.cmpi ne, %convert_element_type3A_102, %cond3A_103 : i32
      scf.if %cond3A_104 {
        %add3A_147 = arith.constant 2 : i32
        %add3A_148 = arith.addi %add3A_71, %add3A_147 : i32
        %mul3A_149 = arith.constant 200 : i32
        %mul3A_150 = arith.muli %add3A_148, %mul3A_149 : i32
        %add3A_151 = arith.addi %mul3A_2, %mul3A_150 : i32
        %dma_start3A_152 = arith.constant 0 : i32
        %dma_start3A_153 = tpu.memref_slice %arg5[%dma_start3A_152] : memref<208xi32, #tpu.memory_space<vmem>> -> memref<200xi32, #tpu.memory_space<vmem>>
        %dma_start3A_154 = tpu.memref_slice %arg2[%add3A_151] : memref<819200xi32, #tpu.memory_space<hbm>> -> memref<200xi32, #tpu.memory_space<hbm>>
        %dma_start3A_155 = arith.constant 0 : i32
        %dma_start3A_156 = tpu.memref_slice %arg5[%dma_start3A_155] : memref<208xi32, #tpu.memory_space<vmem>> -> memref<200xi32, #tpu.memory_space<vmem>>
        %dma_start3A_157 = tpu.memref_slice %arg2[%add3A_151] : memref<819200xi32, #tpu.memory_space<hbm>> -> memref<200xi32, #tpu.memory_space<hbm>>
        tpu.enqueue_dma source(%dma_start3A_157 : memref<200xi32, #tpu.memory_space<hbm>>) target(%dma_start3A_156 : memref<200xi32, #tpu.memory_space<vmem>>) target_semaphore(%arg13 : memref<!tpu.dma_semaphore, #tpu.memory_space<semaphore_mem>>)
      } else {
      }
      %mul3A_105 = arith.constant 2 : i32
      %mul3A_106 = arith.muli %mul3A_105, %add3A_67 : i32
      %add3A_107 = arith.constant 1 : i32
      %add3A_108 = arith.addi %mul3A_106, %add3A_107 : i32
      %dma_wait3A_109 = arith.constant 0 : i32
      %dma_wait3A_110 = tpu.memref_slice %arg8[%dma_wait3A_109] : memref<208xi32, #tpu.memory_space<vmem>> -> memref<200xi32, #tpu.memory_space<vmem>>
      %dma_wait3A_111 = arith.constant 0 : i32
      %dma_wait3A_112 = arith.constant 0 : i32
      %dma_wait3A_113 = tpu.memref_slice %arg3[%dma_wait3A_111, %dma_wait3A_112] : memref<500000x128xf32, #tpu.memory_space<hbm>> -> memref<500000x128xf32, #tpu.memory_space<hbm>>
      tpu.wait_indirect_dma semaphore(%arg16 : memref<!tpu.dma_semaphore, #tpu.memory_space<semaphore_mem>>) src(%dma_wait3A_113 : memref<500000x128xf32, #tpu.memory_space<hbm>>) dst(%arg10 : memref<200x128xf32, #tpu.memory_space<vmem>>)
      %add3A_114 = arith.constant 1 : i32
      %add3A_115 = arith.addi %add3A_108, %add3A_114 : i32
      %lt3A_116 = arith.constant 128 : i32
      %lt3A_117 = arith.cmpi slt, %add3A_115, %lt3A_116 : i32
      %convert_element_type3A_118 = arith.extui %lt3A_117 : i1 to i32
      %cond3A_119 = arith.constant 0 : i32
      %cond3A_120 = arith.cmpi ne, %convert_element_type3A_118, %cond3A_119 : i32
      scf.if %cond3A_120 {
        %add3A_147 = arith.constant 1 : i32
        %add3A_148 = arith.addi %add3A_108, %add3A_147 : i32
        %mul3A_149 = arith.constant 200 : i32
        %mul3A_150 = arith.muli %add3A_148, %mul3A_149 : i32
        %add3A_151 = arith.addi %mul3A_2, %mul3A_150 : i32
        %dma_wait3A_152 = arith.constant 0 : i32
        %dma_wait3A_153 = tpu.memref_slice %arg5[%dma_wait3A_152] : memref<208xi32, #tpu.memory_space<vmem>> -> memref<200xi32, #tpu.memory_space<vmem>>
        %dma_wait3A_154 = tpu.memref_slice %arg2[%add3A_151] : memref<819200xi32, #tpu.memory_space<hbm>> -> memref<200xi32, #tpu.memory_space<hbm>>
        %dma_wait3A_155 = arith.constant 0 : i32
        %dma_wait3A_156 = tpu.memref_slice %arg5[%dma_wait3A_155] : memref<208xi32, #tpu.memory_space<vmem>> -> memref<200xi32, #tpu.memory_space<vmem>>
        %dma_wait3A_157 = tpu.memref_slice %arg2[%add3A_151] : memref<819200xi32, #tpu.memory_space<hbm>> -> memref<200xi32, #tpu.memory_space<hbm>>
        tpu.wait_dma2 semaphore(%arg13 : memref<!tpu.dma_semaphore, #tpu.memory_space<semaphore_mem>>) src(%dma_wait3A_157 : memref<200xi32, #tpu.memory_space<hbm>>) dst(%dma_wait3A_156 : memref<200xi32, #tpu.memory_space<vmem>>)
        %scan3A_158 = arith.constant 0 : i32
        %scan3A_159 = arith.constant 13 : i32
        %scan3A_160 = arith.addi %scan3A_158, %scan3A_159 : i32
        %scan3A_161 = arith.constant 1 : i32
        scf.for %scan3A_168 = %scan3A_158 to %scan3A_160 step %scan3A_161  : i32 {
          %mul3A_169 = arith.constant 1 : i32
          %mul3A_170 = arith.muli %scan3A_168, %mul3A_169 : i32
          %add3A_171 = arith.constant 0 : i32
          %add3A_172 = arith.addi %add3A_171, %mul3A_170 : i32
          %mul3A_173 = arith.constant 16 : i32
          %mul3A_174 = arith.muli %add3A_172, %mul3A_173 : i32
          %get3A = arith.index_cast %mul3A_174 : i32 to index
          %get3A_175 = tpu.vector_load %arg5[%get3A] {strides = array<i32>} : memref<208xi32, #tpu.memory_space<vmem>>, vector<16xi32>,
          %shift_right_logical3A = arith.constant 1 : i32
          %shift_right_logical3A_176 = vector.broadcast %shift_right_logical3A : i32 to vector<16xi32>
          %shift_right_logical3A_177 = arith.shrui %get3A_175, %shift_right_logical3A_176 : vector<16xi32>
          %swap3A = arith.index_cast %mul3A_174 : i32 to index
          %swap3A_178 = tpu.vector_load %arg7[%swap3A] {strides = array<i32>} : memref<208xi32, #tpu.memory_space<vmem>>, vector<16xi32>,
          tpu.vector_store %arg7[%swap3A], %shift_right_logical3A_177 {strides = array<i32>} : memref<208xi32, #tpu.memory_space<vmem>>, vector<16xi32>,
        }
        %scan3A_162 = arith.constant 13 : i32
        %dma_start3A_163 = arith.constant 0 : i32
        %dma_start3A_164 = tpu.memref_slice %arg7[%dma_start3A_163] : memref<208xi32, #tpu.memory_space<vmem>> -> memref<200xi32, #tpu.memory_space<vmem>>
        %dma_start3A_165 = arith.constant 0 : i32
        %dma_start3A_166 = arith.constant 0 : i32
        %dma_start3A_167 = tpu.memref_slice %arg3[%dma_start3A_165, %dma_start3A_166] : memref<500000x128xf32, #tpu.memory_space<hbm>> -> memref<500000x128xf32, #tpu.memory_space<hbm>>
        tpu.enqueue_indirect_dma source(%dma_start3A_167 : memref<500000x128xf32, #tpu.memory_space<hbm>>) target(%arg9 : memref<200x128xf32, #tpu.memory_space<vmem>>) offsets(%dma_start3A_164 : memref<200xi32, #tpu.memory_space<vmem>>) semaphore(%arg15 : memref<!tpu.dma_semaphore, #tpu.memory_space<semaphore_mem>>)
      } else {
      }
      %ge3A_121 = arith.constant 2 : i32
      %ge3A_122 = arith.cmpi sge, %add3A_108, %ge3A_121 : i32
      %convert_element_type3A_123 = arith.extui %ge3A_122 : i1 to i32
      %cond3A_124 = arith.constant 0 : i32
      %cond3A_125 = arith.cmpi ne, %convert_element_type3A_123, %cond3A_124 : i32
      scf.if %cond3A_125 {
        %sub3A = arith.constant 2 : i32
        %sub3A_147 = arith.subi %add3A_108, %sub3A : i32
        %mul3A_148 = arith.constant 128 : i32
        %mul3A_149 = arith.muli %add3A, %mul3A_148 : i32
        %add3A_150 = arith.addi %mul3A_149, %sub3A_147 : i32
        %dma_wait3A_151 = arith.constant 0 : i32
        %dma_wait3A_152 = arith.constant 0 : i32
        %dma_wait3A_153 = tpu.memref_slice %arg4[%add3A_150, %dma_wait3A_151, %dma_wait3A_152] : memref<4096x200x64xf32, #tpu.memory_space<hbm>> -> memref<1x200x64xf32, #tpu.memory_space<hbm>>
        %dma_wait3A_154 = tpu.memref_squeeze %dma_wait3A_153 : memref<1x200x64xf32, #tpu.memory_space<hbm>> -> memref<200x64xf32, #tpu.memory_space<hbm>>
        %dma_wait3A_155 = arith.constant 0 : i32
        %dma_wait3A_156 = arith.constant 0 : i32
        %dma_wait3A_157 = tpu.memref_slice %arg4[%add3A_150, %dma_wait3A_155, %dma_wait3A_156] : memref<4096x200x64xf32, #tpu.memory_space<hbm>> -> memref<1x200x64xf32, #tpu.memory_space<hbm>>
        %dma_wait3A_158 = tpu.memref_squeeze %dma_wait3A_157 : memref<1x200x64xf32, #tpu.memory_space<hbm>> -> memref<200x64xf32, #tpu.memory_space<hbm>>
        tpu.wait_dma2 semaphore(%arg18 : memref<!tpu.dma_semaphore, #tpu.memory_space<semaphore_mem>>) src(%arg12 : memref<200x64xf32, #tpu.memory_space<vmem>>) dst(%dma_wait3A_158 : memref<200x64xf32, #tpu.memory_space<hbm>>)
      } else {
      }
      %parallel_loop3A_126 = arith.constant 0 : i32
      %parallel_loop3A_127 = arith.constant 200 : i32
      %parallel_loop3A_128 = arith.constant 1 : i32
      scf.for %parallel_loop3A_147 = %parallel_loop3A_126 to %parallel_loop3A_127 step %parallel_loop3A_128  : i32 {
        %parallel_loop3A_148 = vector.broadcast %parallel_loop3A_147 : i32 to vector<16xi32>
        %parallel_loop3A_149 = tpu.vector_load_idx %arg6[%parallel_loop3A_148] : memref<208xi32, #tpu.memory_space<vmem>>[vector<16xi32>], vector<16xi32>,
        %parallel_loop3A_150 = arith.constant 1 : i32
        %parallel_loop3A_151 = vector.broadcast %parallel_loop3A_150 : i32 to vector<16xi32>
        %parallel_loop3A_152 = arith.andi %parallel_loop3A_149, %parallel_loop3A_151 : vector<16xi32>
        %parallel_loop3A_153 = arith.constant 0 : i32
        %parallel_loop3A_154 = vector.broadcast %parallel_loop3A_153 : i32 to vector<16xi32>
        %parallel_loop3A_155 = arith.cmpi sgt, %parallel_loop3A_152, %parallel_loop3A_154 : vector<16xi32>
        %parallel_loop3A_156 = arith.index_cast %parallel_loop3A_147 : i32 to index
        %parallel_loop3A_157 = arith.constant 0 : index
        %parallel_loop3A_158 = tpu.vector_load %arg10[%parallel_loop3A_156, %parallel_loop3A_157] {strides = array<i32>} : memref<200x128xf32, #tpu.memory_space<vmem>>, vector<16xf32>,
        %parallel_loop3A_159 = arith.index_cast %parallel_loop3A_147 : i32 to index
        %parallel_loop3A_160 = arith.constant 64 : index
        %parallel_loop3A_161 = tpu.vector_load %arg10[%parallel_loop3A_159, %parallel_loop3A_160] {strides = array<i32>} : memref<200x128xf32, #tpu.memory_space<vmem>>, vector<16xf32>,
        %parallel_loop3A_162 = arith.select %parallel_loop3A_155, %parallel_loop3A_161, %parallel_loop3A_158 : vector<16xi1>, vector<16xf32>
        %parallel_loop3A_163 = arith.constant 8.000000e+00 : f32
        %parallel_loop3A_164 = vector.broadcast %parallel_loop3A_163 : f32 to vector<16xf32>
        %parallel_loop3A_165 = arith.mulf %parallel_loop3A_162, %parallel_loop3A_164 : vector<16xf32>
        %parallel_loop3A_166 = arith.index_cast %parallel_loop3A_147 : i32 to index
        %parallel_loop3A_167 = arith.constant 0 : index
        %parallel_loop3A_168 = tpu.vector_load %arg12[%parallel_loop3A_166, %parallel_loop3A_167] {strides = array<i32>} : memref<200x64xf32, #tpu.memory_space<vmem>>, vector<16xf32>,
        tpu.vector_store %arg12[%parallel_loop3A_166, %parallel_loop3A_167], %parallel_loop3A_165 {strides = array<i32>} : memref<200x64xf32, #tpu.memory_space<vmem>>, vector<16xf32>,
        %parallel_loop3A_169 = arith.index_cast %parallel_loop3A_147 : i32 to index
        %parallel_loop3A_170 = arith.constant 16 : index
        %parallel_loop3A_171 = tpu.vector_load %arg10[%parallel_loop3A_169, %parallel_loop3A_170] {strides = array<i32>} : memref<200x128xf32, #tpu.memory_space<vmem>>, vector<16xf32>,
        %parallel_loop3A_172 = arith.index_cast %parallel_loop3A_147 : i32 to index
        %parallel_loop3A_173 = arith.constant 80 : index
        %parallel_loop3A_174 = tpu.vector_load %arg10[%parallel_loop3A_172, %parallel_loop3A_173] {strides = array<i32>} : memref<200x128xf32, #tpu.memory_space<vmem>>, vector<16xf32>,
        %parallel_loop3A_175 = arith.select %parallel_loop3A_155, %parallel_loop3A_174, %parallel_loop3A_171 : vector<16xi1>, vector<16xf32>
        %parallel_loop3A_176 = arith.constant 8.000000e+00 : f32
        %parallel_loop3A_177 = vector.broadcast %parallel_loop3A_176 : f32 to vector<16xf32>
        %parallel_loop3A_178 = arith.mulf %parallel_loop3A_175, %parallel_loop3A_177 : vector<16xf32>
        %parallel_loop3A_179 = arith.index_cast %parallel_loop3A_147 : i32 to index
        %parallel_loop3A_180 = arith.constant 16 : index
        %parallel_loop3A_181 = tpu.vector_load %arg12[%parallel_loop3A_179, %parallel_loop3A_180] {strides = array<i32>} : memref<200x64xf32, #tpu.memory_space<vmem>>, vector<16xf32>,
        tpu.vector_store %arg12[%parallel_loop3A_179, %parallel_loop3A_180], %parallel_loop3A_178 {strides = array<i32>} : memref<200x64xf32, #tpu.memory_space<vmem>>, vector<16xf32>,
        %parallel_loop3A_182 = arith.index_cast %parallel_loop3A_147 : i32 to index
        %parallel_loop3A_183 = arith.constant 32 : index
        %parallel_loop3A_184 = tpu.vector_load %arg10[%parallel_loop3A_182, %parallel_loop3A_183] {strides = array<i32>} : memref<200x128xf32, #tpu.memory_space<vmem>>, vector<16xf32>,
        %parallel_loop3A_185 = arith.index_cast %parallel_loop3A_147 : i32 to index
        %parallel_loop3A_186 = arith.constant 96 : index
        %parallel_loop3A_187 = tpu.vector_load %arg10[%parallel_loop3A_185, %parallel_loop3A_186] {strides = array<i32>} : memref<200x128xf32, #tpu.memory_space<vmem>>, vector<16xf32>,
        %parallel_loop3A_188 = arith.select %parallel_loop3A_155, %parallel_loop3A_187, %parallel_loop3A_184 : vector<16xi1>, vector<16xf32>
        %parallel_loop3A_189 = arith.constant 8.000000e+00 : f32
        %parallel_loop3A_190 = vector.broadcast %parallel_loop3A_189 : f32 to vector<16xf32>
        %parallel_loop3A_191 = arith.mulf %parallel_loop3A_188, %parallel_loop3A_190 : vector<16xf32>
        %parallel_loop3A_192 = arith.index_cast %parallel_loop3A_147 : i32 to index
        %parallel_loop3A_193 = arith.constant 32 : index
        %parallel_loop3A_194 = tpu.vector_load %arg12[%parallel_loop3A_192, %parallel_loop3A_193] {strides = array<i32>} : memref<200x64xf32, #tpu.memory_space<vmem>>, vector<16xf32>,
        tpu.vector_store %arg12[%parallel_loop3A_192, %parallel_loop3A_193], %parallel_loop3A_191 {strides = array<i32>} : memref<200x64xf32, #tpu.memory_space<vmem>>, vector<16xf32>,
        %parallel_loop3A_195 = arith.index_cast %parallel_loop3A_147 : i32 to index
        %parallel_loop3A_196 = arith.constant 48 : index
        %parallel_loop3A_197 = tpu.vector_load %arg10[%parallel_loop3A_195, %parallel_loop3A_196] {strides = array<i32>} : memref<200x128xf32, #tpu.memory_space<vmem>>, vector<16xf32>,
        %parallel_loop3A_198 = arith.index_cast %parallel_loop3A_147 : i32 to index
        %parallel_loop3A_199 = arith.constant 112 : index
        %parallel_loop3A_200 = tpu.vector_load %arg10[%parallel_loop3A_198, %parallel_loop3A_199] {strides = array<i32>} : memref<200x128xf32, #tpu.memory_space<vmem>>, vector<16xf32>,
        %parallel_loop3A_201 = arith.select %parallel_loop3A_155, %parallel_loop3A_200, %parallel_loop3A_197 : vector<16xi1>, vector<16xf32>
        %parallel_loop3A_202 = arith.constant 8.000000e+00 : f32
        %parallel_loop3A_203 = vector.broadcast %parallel_loop3A_202 : f32 to vector<16xf32>
        %parallel_loop3A_204 = arith.mulf %parallel_loop3A_201, %parallel_loop3A_203 : vector<16xf32>
        %parallel_loop3A_205 = arith.index_cast %parallel_loop3A_147 : i32 to index
        %parallel_loop3A_206 = arith.constant 48 : index
        %parallel_loop3A_207 = tpu.vector_load %arg12[%parallel_loop3A_205, %parallel_loop3A_206] {strides = array<i32>} : memref<200x64xf32, #tpu.memory_space<vmem>>, vector<16xf32>,
        tpu.vector_store %arg12[%parallel_loop3A_205, %parallel_loop3A_206], %parallel_loop3A_204 {strides = array<i32>} : memref<200x64xf32, #tpu.memory_space<vmem>>, vector<16xf32>,
      } {sc.loop_unroll_factor = 4 : i64, sc.parallel_access}
      %mul3A_129 = arith.constant 128 : i32
      %mul3A_130 = arith.muli %add3A, %mul3A_129 : i32
      %add3A_131 = arith.addi %mul3A_130, %add3A_108 : i32
      %dma_start3A_132 = arith.constant 0 : i32
      %dma_start3A_133 = arith.constant 0 : i32
      %dma_start3A_134 = tpu.memref_slice %arg4[%add3A_131, %dma_start3A_132, %dma_start3A_133] : memref<4096x200x64xf32, #tpu.memory_space<hbm>> -> memref<1x200x64xf32, #tpu.memory_space<hbm>>
      %dma_start3A_135 = tpu.memref_squeeze %dma_start3A_134 : memref<1x200x64xf32, #tpu.memory_space<hbm>> -> memref<200x64xf32, #tpu.memory_space<hbm>>
      %dma_start3A_136 = arith.constant 0 : i32
      %dma_start3A_137 = arith.constant 0 : i32
      %dma_start3A_138 = tpu.memref_slice %arg4[%add3A_131, %dma_start3A_136, %dma_start3A_137] : memref<4096x200x64xf32, #tpu.memory_space<hbm>> -> memref<1x200x64xf32, #tpu.memory_space<hbm>>
      %dma_start3A_139 = tpu.memref_squeeze %dma_start3A_138 : memref<1x200x64xf32, #tpu.memory_space<hbm>> -> memref<200x64xf32, #tpu.memory_space<hbm>>
      tpu.enqueue_dma source(%arg12 : memref<200x64xf32, #tpu.memory_space<vmem>>) target(%dma_start3A_139 : memref<200x64xf32, #tpu.memory_space<hbm>>) target_semaphore(%arg18 : memref<!tpu.dma_semaphore, #tpu.memory_space<semaphore_mem>>)
      %add3A_140 = arith.constant 2 : i32
      %add3A_141 = arith.addi %add3A_108, %add3A_140 : i32
      %lt3A_142 = arith.constant 128 : i32
      %lt3A_143 = arith.cmpi slt, %add3A_141, %lt3A_142 : i32
      %convert_element_type3A_144 = arith.extui %lt3A_143 : i1 to i32
      %cond3A_145 = arith.constant 0 : i32
      %cond3A_146 = arith.cmpi ne, %convert_element_type3A_144, %cond3A_145 : i32
      scf.if %cond3A_146 {
        %add3A_147 = arith.constant 2 : i32
        %add3A_148 = arith.addi %add3A_108, %add3A_147 : i32
        %mul3A_149 = arith.constant 200 : i32
        %mul3A_150 = arith.muli %add3A_148, %mul3A_149 : i32
        %add3A_151 = arith.addi %mul3A_2, %mul3A_150 : i32
        %dma_start3A_152 = arith.constant 0 : i32
        %dma_start3A_153 = tpu.memref_slice %arg6[%dma_start3A_152] : memref<208xi32, #tpu.memory_space<vmem>> -> memref<200xi32, #tpu.memory_space<vmem>>
        %dma_start3A_154 = tpu.memref_slice %arg2[%add3A_151] : memref<819200xi32, #tpu.memory_space<hbm>> -> memref<200xi32, #tpu.memory_space<hbm>>
        %dma_start3A_155 = arith.constant 0 : i32
        %dma_start3A_156 = tpu.memref_slice %arg6[%dma_start3A_155] : memref<208xi32, #tpu.memory_space<vmem>> -> memref<200xi32, #tpu.memory_space<vmem>>
        %dma_start3A_157 = tpu.memref_slice %arg2[%add3A_151] : memref<819200xi32, #tpu.memory_space<hbm>> -> memref<200xi32, #tpu.memory_space<hbm>>
        tpu.enqueue_dma source(%dma_start3A_157 : memref<200xi32, #tpu.memory_space<hbm>>) target(%dma_start3A_156 : memref<200xi32, #tpu.memory_space<vmem>>) target_semaphore(%arg14 : memref<!tpu.dma_semaphore, #tpu.memory_space<semaphore_mem>>)
      } else {
      }
    }
    %scan3A_38 = arith.constant 64 : i32
    %mul3A_39 = arith.constant 128 : i32
    %mul3A_40 = arith.muli %add3A, %mul3A_39 : i32
    %add3A_41 = arith.constant 126 : i32
    %add3A_42 = arith.addi %mul3A_40, %add3A_41 : i32
    %dma_wait3A_43 = arith.constant 0 : i32
    %dma_wait3A_44 = arith.constant 0 : i32
    %dma_wait3A_45 = tpu.memref_slice %arg4[%add3A_42, %dma_wait3A_43, %dma_wait3A_44] : memref<4096x200x64xf32, #tpu.memory_space<hbm>> -> memref<1x200x64xf32, #tpu.memory_space<hbm>>
    %dma_wait3A_46 = tpu.memref_squeeze %dma_wait3A_45 : memref<1x200x64xf32, #tpu.memory_space<hbm>> -> memref<200x64xf32, #tpu.memory_space<hbm>>
    %dma_wait3A_47 = arith.constant 0 : i32
    %dma_wait3A_48 = arith.constant 0 : i32
    %dma_wait3A_49 = tpu.memref_slice %arg4[%add3A_42, %dma_wait3A_47, %dma_wait3A_48] : memref<4096x200x64xf32, #tpu.memory_space<hbm>> -> memref<1x200x64xf32, #tpu.memory_space<hbm>>
    %dma_wait3A_50 = tpu.memref_squeeze %dma_wait3A_49 : memref<1x200x64xf32, #tpu.memory_space<hbm>> -> memref<200x64xf32, #tpu.memory_space<hbm>>
    tpu.wait_dma2 semaphore(%arg17 : memref<!tpu.dma_semaphore, #tpu.memory_space<semaphore_mem>>) src(%arg11 : memref<200x64xf32, #tpu.memory_space<vmem>>) dst(%dma_wait3A_50 : memref<200x64xf32, #tpu.memory_space<hbm>>)
    %mul3A_51 = arith.constant 128 : i32
    %mul3A_52 = arith.muli %add3A, %mul3A_51 : i32
    %add3A_53 = arith.constant 127 : i32
    %add3A_54 = arith.addi %mul3A_52, %add3A_53 : i32
    %dma_wait3A_55 = arith.constant 0 : i32
    %dma_wait3A_56 = arith.constant 0 : i32
    %dma_wait3A_57 = tpu.memref_slice %arg4[%add3A_54, %dma_wait3A_55, %dma_wait3A_56] : memref<4096x200x64xf32, #tpu.memory_space<hbm>> -> memref<1x200x64xf32, #tpu.memory_space<hbm>>
    %dma_wait3A_58 = tpu.memref_squeeze %dma_wait3A_57 : memref<1x200x64xf32, #tpu.memory_space<hbm>> -> memref<200x64xf32, #tpu.memory_space<hbm>>
    %dma_wait3A_59 = arith.constant 0 : i32
    %dma_wait3A_60 = arith.constant 0 : i32
    %dma_wait3A_61 = tpu.memref_slice %arg4[%add3A_54, %dma_wait3A_59, %dma_wait3A_60] : memref<4096x200x64xf32, #tpu.memory_space<hbm>> -> memref<1x200x64xf32, #tpu.memory_space<hbm>>
    %dma_wait3A_62 = tpu.memref_squeeze %dma_wait3A_61 : memref<1x200x64xf32, #tpu.memory_space<hbm>> -> memref<200x64xf32, #tpu.memory_space<hbm>>
    tpu.wait_dma2 semaphore(%arg18 : memref<!tpu.dma_semaphore, #tpu.memory_space<semaphore_mem>>) src(%arg12 : memref<200x64xf32, #tpu.memory_space<vmem>>) dst(%dma_wait3A_62 : memref<200x64xf32, #tpu.memory_space<hbm>>)
    return
  }
}

</mosaic_0001>

<sc_bundles>
// kernel: kernel.3.cloned.1.call-start
scs
__scs_entry_jumppad:
0x0: {  	(pc) =	sbr.rel $0x88, $3  }
0x1: {  	(tag) =	ssettag $0x0;
	lr =	simm.s32 $0x1  }
0x2: {  	[smem:$0x3F9F] =	sst lr;
	_ =	strace $0xD0000000  }
0x3: {  	_ = 	snop  }
0x4: {  	_ = 	snop  }
0x5: {  	_ = 	snop  }
0x6: {  	_ = 	snop  }
0x7: {  	_ = 	snop  }
__scs_overlays_trampoline_lowered:
0x8: {  	[smem:$0x3FAE] =	sst s0  }
0x9: {  	[smem:$0x3FAF] =	sst s1  }
0xa: {  	[smem:$0x3FB0] =	sst s2  }
0xb: {  	[smem:$0x3FB1] =	sst s3  }
0xc: {  	[smem:$0x3FB2] =	sst s4  }
0xd: {  	[smem:$0x3FB3] =	sst s5  }
0xe: {  	[smem:$0x3FB4] =	sst s6  }
0xf: {  	[smem:$0x3FB5] =	sst s7  }
0x10: {  	[smem:$0x3FB6] =	sst s8  }
0x11: {  	[smem:$0x3FB7] =	sst s9;
	s0 =	simm.s32 @!p0 $0x0  }
0x12: {  	s1 =	sld [smem:$0x3F9D];
	s0 =	simm.s32 @p0 $0x1  }
0x13: {  	[smem:$0x3FB8] =	sst s0;
	s0 =	simm.s32 @!p1 $0x0  }
0x14: {  	s2 =	sld [smem:$0x3F9C];
	s0 =	simm.s32 @p1 $0x1  }
0x15: {  	[smem:$0x3FB9] =	sst s0;
	s0 =	simm.s32 @!p2 $0x0  }
0x16: {  	s3 =	sld [smem:$0x3FDB];
	s0 =	simm.s32 @p2 $0x1  }
0x17: {  	s4 =	simm.s32 $0x1BF5;
	[smem:$0x3FBB] =	sst s0  }
0x18: {  	s0 =	sld [smem:$0x3F9E];
	_ =	swait.ge [sflag:s4], $0x0  }
0x19: {  	s7 =	sld [smem:$0x3F9F]  }
0x1a: {  	s8 =	sadd.s32 $0xFFFFE003, lr  }
0x1b: {  	s9 =	sadd.s32 $0xFFFFFEF7, lr;
	s5 =	simm.s32 $0xFFFFFFFF;
	p2 =	slt.u32 s8, $0xFFFFF086  }
0x1c: {  	p1 =	slt.u32 s9, $0xF7A;
	s5 =	simm.s32 @!p2 $0x0  }
0x1d: {  	s5 =	simm.s32 @p1 $0x1;
	p0 =	seq.s32 s7, s2  }
0x1e: {  	s7 =	smul.u32 @!p0 $0xF7A, s2;
	p2 =	seq.s32 @!p0 s5, $0x0  }
0x1f: {  	s9 =	smul.u32 $0xF7A, s1;
	s8 =	simm.s32 @!p0 $0x1BF5;
	p2 =	por !p2, p0  }
0x20: {  	[sflag:s8] =	ssyncset.s32 @!p0 $0xFFFFF086;
	s6 =	sadd.s32 @!p0 s3, s7;
	s7 =	simm.s32 @!p0 $0x108  }
0x21: {  	s3 =	sadd.s32 s3, s9;
	s6 =	sadd.s32 @!p0 $0x88, s6;
	s7 =	simm.s32 @p2 $0x1082  }
0x22: {  	[simem:s7], [sflag:s8] =	dma.local @!p0 [hbm:s6], $0xF7A  }
0x23: {  	s9 =	sor.u32 $0xD0000000, s2;
	s6 =	simm.s32 $0x108;
	_ =	swait.ge @!p0 [sflag:s8], $0x0  }
0x24: {  	s3 =	sadd.s32 $0x88, s3;
	s6 =	simm.s32 @!p1 $0x1082;
	[sflag:s4] =	ssyncset.s32 $0xFFFFF086  }
0x25: {  	[simem:s6], [sflag:s4] =	dma.local [hbm:s3], $0xF7A  }
0x26: {  	[smem:$0x3F9F] =	sst s1;
	(tag) =	ssettag s2;
	_ =	strace s9  }
0x27: {  	s1 =	sld [smem:$0x3FAF]  }
0x28: {  	s2 =	sld [smem:$0x3FB0]  }
0x29: {  	s4 =	sld [smem:$0x3FB2]  }
0x2a: {  	p0 =	seq.s32 s5, $0x0;
	s5 =	sld [smem:$0x3FB3]  }
0x2b: {  	s6 =	sld [smem:$0x3FB4]  }
0x2c: {  	s7 =	sld [smem:$0x3FB5]  }
0x2d: {  	s3 =	simm.s32 $0x108;
	s8 =	sld [smem:$0x3FB6]  }
0x2e: {  	s3 =	simm.s32 @!p0 $0x1082;
	s9 =	sld [smem:$0x3FB7]  }
0x2f: {  	lr =	sadd.s32 s0, s3;
	s0 =	sld [smem:$0x3FAE]  }
0x30: {  	s3 =	sld [smem:$0x3FB1]  }
0x31: {  	[smem:$0x3FBA] =	sst s10  }
0x32: {  	s10 =	sld [smem:$0x3FB8];
	_ =	sdelay $0x3  }
0x33: {  	p0 =	seq.s32 s10, $0x1;
	s10 =	sld [smem:$0x3FBA];
	_ =	sdelay $0x3  }
0x34: {  	[smem:$0x3FBA] =	sst s10  }
0x35: {  	s10 =	sld [smem:$0x3FB9];
	_ =	sdelay $0x3  }
0x36: {  	p1 =	seq.s32 s10, $0x1;
	s10 =	sld [smem:$0x3FBA];
	_ =	sdelay $0x3  }
0x37: {  	[smem:$0x3FBA] =	sst s10  }
0x38: {  	s10 =	sld [smem:$0x3FBB]  }
0x39: {  	_ = 	snop;
	(pc) =	sbr.ind lr, $3  }
0x3a: {  	_ = 	snop  }
0x3b: {  	_ = 	snop  }
0x3c: {  	p2 =	seq.s32 s10, $0x1;
	s10 =	sld [smem:$0x3FBA]  }
0x3d: {  	_ =	shalt  }
0x3e: {  	_ =	shalt  }
0x3f: {  	_ =	shalt  }
0x40: {  	_ =	shalt  }
0x41: {  	_ =	shalt  }
0x42: {  	_ =	shalt  }
0x43: {  	_ =	shalt  }
0x44: {  	_ =	shalt  }
0x45: {  	_ =	shalt  }
0x46: {  	_ =	shalt  }
0x47: {  	_ =	shalt  }
0x48: {  	_ =	shalt  }
0x49: {  	_ =	shalt  }
0x4a: {  	_ =	shalt  }
0x4b: {  	_ =	shalt  }
0x4c: {  	_ =	shalt  }
0x4d: {  	_ =	shalt  }
0x4e: {  	_ =	shalt  }
0x4f: {  	_ =	shalt  }
0x50: {  	_ =	shalt  }
0x51: {  	_ =	shalt  }
0x52: {  	_ =	shalt  }
0x53: {  	_ =	shalt  }
0x54: {  	_ =	shalt  }
0x55: {  	_ =	shalt  }
0x56: {  	_ =	shalt  }
0x57: {  	_ =	shalt  }
0x58: {  	_ =	shalt  }
0x59: {  	_ =	shalt  }
0x5a: {  	_ =	shalt  }
0x5b: {  	_ =	shalt  }
0x5c: {  	_ =	shalt  }
0x5d: {  	_ =	shalt  }
0x5e: {  	_ =	shalt  }
0x5f: {  	_ =	shalt  }
0x60: {  	_ =	shalt  }
0x61: {  	_ =	shalt  }
0x62: {  	_ =	shalt  }
0x63: {  	_ =	shalt  }
0x64: {  	_ =	shalt  }
0x65: {  	_ =	shalt  }
0x66: {  	_ =	shalt  }
0x67: {  	_ =	shalt  }
0x68: {  	_ =	shalt  }
0x69: {  	_ =	shalt  }
0x6a: {  	_ =	shalt  }
0x6b: {  	_ =	shalt  }
0x6c: {  	_ =	shalt  }
0x6d: {  	_ =	shalt  }
0x6e: {  	_ =	shalt  }
0x6f: {  	_ =	shalt  }
0x70: {  	_ =	shalt  }
0x71: {  	_ =	shalt  }
0x72: {  	_ =	shalt  }
0x73: {  	_ =	shalt  }
0x74: {  	_ =	shalt  }
0x75: {  	_ =	shalt  }
0x76: {  	_ =	shalt  }
0x77: {  	_ =	shalt  }
0x78: {  	_ =	shalt  }
0x79: {  	_ =	shalt  }
0x7a: {  	_ =	shalt  }
0x7b: {  	_ =	shalt  }
0x7c: {  	_ =	shalt  }
0x7d: {  	_ =	shalt  }
0x7e: {  	_ =	shalt  }
0x7f: {  	_ =	shalt  }
0x80: {  	_ =	shalt  }
0x81: {  	_ =	shalt  }
0x82: {  	_ =	shalt  }
0x83: {  	_ =	shalt  }
0x84: {  	_ =	shalt  }
0x85: {  	_ =	shalt  }
0x86: {  	_ =	shalt  }
0x87: {  	_ =	shalt  }
.Lfunc_end0:
.L_simem_size_0:
called_computation_lowered:
.L_overlay_start_0:
0x88: {  	s2 =	sld [smem:$0x3FD9]  }
0x89: {  	s3 =	sld [smem:$0x3FFE];
	_ =	sdelay $0x1  }
0x8a: {  	s1 =	srdreg.scid  }
0x8b: {  	s0 =	sand.u32 $0x1, s1  }
0x8c: {  	s17 =	sshll.u32 s0, $0xA;
	s2 =	sadd.s32 s3, s2  }
0x8d: {  	s2 =	sadd.s32 s2, s17  }
0x8e: {  	[smem:$0x3FC6] =	sst s2  }
0x8f: {  	_ = 	snop  }
0x90: {  	s2 =	sld [smem:$0x3FD0];
	(tm) =	ssettm $0x1  }
0x91: {  	s18 =	sld [smem:$0x3FFB];
	_ =	sdelay $0x3  }
0x92: {  	_ =	strace s18  }
0x93: {  	s3 =	sld [smem:$0x3FFC];
	_ =	sdelay $0x3  }
0x94: {  	_ =	strace s3  }
0x95: {  	s3 =	sld [smem:$0x3FFD];
	_ =	sdelay $0x3  }
0x96: {  	_ =	strace s3  }
0x97: {  	_ =	strace $0x8FFFFFFF  }
0x98: {  	s19 =	sld [smem:$0x3FDB];
	_ =	sdelay $0x1  }
0x99: {  	s4 =	simm.s32 $_scs_section_size  }
0x9a: {  	s5 =	simm.s32 $_size__tile_overlayer_lowered;
	s6 =	simm.s32 $_tile_overlayer_lowered  }
0x9b: {  	s22 =	simm.s32 $0x1BFF;
	s21 =	sshll.u32 s6, $0x1;
	s3 =	sadd.s32 s4, s19  }
0x9c: {  	s7 =	simm.s32 $0x0;
	s20 =	sshll.u32 s5, $0x1;
	s5 =	sadd.s32 s21, s3  }
0x9d: {  	[timem:s7], [sflag:s22] =	dma.local [hbm:s5], s20  }
0x9e: {  	_ =	swait.ge [sflag:s22], s20  }
0x9f: {  	s4 =	ssub.s32 $0x0, s20;
	[sflag:s22] =	ssyncset.done $0x0  }
0xa0: {  	[sflag:s22] =	ssyncadd.s32 s4;
	_ =	sdelay $0x1  }
0xa1: {  	s23 =	simm.s32 $0x1B8B  }
0xa2: {  	_ =	swait.ge [sflag:s23], $0x1  }
0xa3: {  	[sflag:s23] =	ssyncset.done $0x0  }
0xa4: {  	s25 =	simm.s32 $0x1B8E;
	s24 =	sld [smem:$0x3FFE];
	[sflag:s23] =	ssyncadd.s32 $0xFFFFFFFF  }
0xa5: {  	s26 =	simm.s32 $execute0_lowered;
	[smem:$0x3FD2] =	sst s25  }
0xa6: {  	s5 =	sshll.u32 s26, $0x1;
	_ =	strace $0x80000046;
	[dreg:$0x1] =	wrdreg $0xFFFFFFFF  }
0xa7: {  	s28 =	simm.s32 $_size_execute0_lowered;
	s3 =	sadd.s32 s3, s5;
	[dreg:$0x0] =	wrdreg $0x0  }
0xa8: {  	s5 =	sshll.u32 s28, $0x1;
	[dreg:$0x2] =	wrdreg s3  }
0xa9: {  	[dreg:$0x3] =	wrdreg s5  }
0xaa: {  	[dreg:$0x4] =	wrdreg $0xC0  }
0xab: {  	_ =	task [dreg:s7], $0x5FFFF  }
0xac: {  	[dreg:$0x1] =	wrdreg $0xFFFFFFFF  }
0xad: {  	[dreg:$0x0] =	wrdreg $0x60  }
0xae: {  	[dreg:$0x2] =	wrdreg s2  }
0xaf: {  	[dreg:$0x3] =	wrdreg s24  }
0xb0: {  	[dreg:$0x4] =	wrdreg $0x9  }
0xb1: {  	_ =	task.clear_ibuf [dreg:s7], $0x5FFFF;
	_ =	strace $0x90000046  }
0xb2: {  	s29 =	simm.s32 $0x9;
	_ =	strace $0x80000048  }
0xb3: {  	_ =	swait.ge [sflag:s29], $0x1  }
0xb4: {  	[sflag:s29] =	ssyncadd.s32 $0xFFFFFFFF  }
0xb5: {  	_ =	strace $0x90000048  }
0xb6: {  	_ =	sfence  }
0xb7: {  	s30 =	sld [smem:$0x0];
	_ =	sdelay $0x2  }
0xb8: {  	s31 =	sshll.u32 s1, $0xD;
	s1 =	sshrl.u32 s1, $0x2  }
0xb9: {  	s3 =	sand.u32 $0x4000, s31;
	s1 =	sadd.s32 s1, s30  }
0xba: {  	s0 =	sor.u32 s3, s0;
	s1 =	sshll.u32 s1, $0x11  }
0xbb: {  	s0 =	sor.u32 s1, s0  }
0xbc: {  	s0 =	sadd.s32 $0x8F2B, s0  }
0xbd: {  	[sflag:s0] =	ssyncadd.remote.s32 $0x1  }
0xbe: {  	_ =	sfence.sel $0xFFFF  }
0xbf: {  	[dreg:$0x0] =	wrdreg $0xFFFFFFFF;
	(pc) =	sbr.abs _section_cstart, $3  }
0xc0: {  	[dreg:$0x1] =	wrdreg $0xFFFFFFFF  }
0xc1: {  	_ =	task.clear_ibuf [dreg:s7], $0x2FFFF;
	_ =	strace $0x9FFFFFFF  }
0xc2: {  	(tm) =	ssettm $0x7FFFFFFF  }
0xc3: {  	_ =	shalt  }
tec
execute0_lowered:
.L_overlay_start_1:
0x0: {  	(tag) =	ssettag $0x1  }
0x1: {  	s2 =	rddreg [dreg:$0x0]  }
0x2: {  	s0 =	srdreg.scid;
	s3 =	stileid.u32  }
0x3: {  	s1 =	rddreg [dreg:$0x1];
	s12 =	simm.s32 $0x1;
	s13 =	simm.s32 $0xC8  }
0x4: {  	s14 =	simm.s32 $0x200;
	s15 =	simm.s32 $0x400;
	s16 =	simm.s32 $0x100  }
0x5: {  	s17 =	simm.s32 $0x3;
	s18 =	simm.s32 $0x2;
	s19 =	simm.s32 $0x300  }
0x6: {  	s20 =	simm.s32 $0x6800;
	s21 =	simm.s32 $0xCC00;
	s22 =	simm.s32 $0x4  }
0x7: {  	s23 =	simm.s32 $0x6;
	s24 =	simm.s32 $0x13000;
	s25 =	simm.s32 $0x5  }
0x8: {  	s26 =	simm.s32 $0x0;
	s0 =	sand.u32 $0x1, s0;
	s4 =	sshll.u32 s3, $0x1  }
0x9: {  	s3 =	simm.s32 $0x0;
	s6 =	sor.u32 s0, s4;
	s0 =	ssub.s32 $0x2, s0  }
0xa: {  	s5 =	sadd.s32 $0x600, s1;
	s7 =	smul.u32 $0x6400, s6;
	s30 =	sshrl.u32 s0, $0x1  }
.Ltmp0:
0xb: {  	[smem:$0x7FF] =	sst s3;
	s0 =	ssub.s32 s0, s30;
	(pc) =	sbr.rel .LBB2_1-.Ltmp0, $4  }
0xc: {  	s4 =	sadd.s32 $0xF42A00, s1;
	s8 =	sshrl.u32 s7, $0x3;
	s0 =	smax.u32 s0, $0x1  }
0xd: {  	_ =	strace $0x80000047;
	s8 =	sadd.s32 s2, s8;
	[dreg:$0x5] =	wrdreg s0  }
0xe: {  	s9 =	sor.u32 $0x190, s7;
	[dreg:$0x3] =	wrdreg s8;
	s31 =	sadd.s32 $0x19, s8  }
0xf: {  	s10 =	sor.u32 $0x258, s7;
	s8 =	sshll.u32 s6, $0x7;
	[dreg:$0x4] =	wrdreg s31  }
.LBB2_12:
0x10: {  	_ =	swait.ge [sflag:s25], $0x6400  }
0x11: {  	[sflag:s25] =	ssyncset.done $0x0  }
0x12: {  	[sflag:s25] =	ssyncadd.s32 $0xFFFF9C00  }
0x13: {  	_ =	swait.ge [sflag:s23], $0x6400  }
0x14: {  	s26 =	sadd.s32 $0x1, s26;
	s0 =	rddreg [dreg:$0x5]  }
0x15: {  	p0 =	sne.s32 s26, s0  }
.Ltmp1:
0x16: {  	_ = 	snop;
	(pc) =	sbr.rel @!p0 .LBB2_13-.Ltmp1, $3  }
0x17: {  	_ =	sdelay $0x1  }
0x18: {  	[sflag:s23] =	ssyncset.done $0x0  }
0x19: {  	[sflag:s23] =	ssyncadd.s32 $0xFFFF9C00  }
.LBB2_1:
0x1a: {  	s0 =	rddreg [dreg:$0x3]  }
0x1b: {  	[tilespmem:s3], [sflag:$0x1] =	stream.linear.gather [hbm4b:s0+s3], $0xC8, $0x38;
	[tilespmem:$0x19400] =	vst v63  }
0x1c: {  	_ =	swait.ge [sflag:s12], $0xC8  }
0x1d: {  	[sflag:s12] =	ssyncset.done $0x0  }
0x1e: {  	[sflag:s12] =	ssyncadd.s32 $0xFFFFFF38  }
0x1f: {  	v0 =	vld [tilespmem:$0x0]  }
0x20: {  	v1 =	vld [tilespmem:$0x10]  }
0x21: {  	v2 =	vld [tilespmem:$0x20]  }
0x22: {  	v3 =	vld [tilespmem:$0x30]  }
0x23: {  	v4 =	vld [tilespmem:$0x40]  }
0x24: {  	v5 =	vld [tilespmem:$0x50];
	v0 =	vshrl.u32 v0, $0x1  }
0x25: {  	v46 =	vld [tilespmem:$0x60];
	v45 =	vshrl.u32 v1, $0x1;
	[tilespmem:$0x200] =	vst v0  }
0x26: {  	v48 =	vld [tilespmem:$0x70];
	v47 =	vshrl.u32 v2, $0x1;
	[tilespmem:$0x210] =	vst v45  }
0x27: {  	v50 =	vld [tilespmem:$0x80];
	v49 =	vshrl.u32 v3, $0x1;
	[tilespmem:$0x220] =	vst v47  }
0x28: {  	v52 =	vld [tilespmem:$0x90];
	v51 =	vshrl.u32 v4, $0x1;
	[tilespmem:$0x230] =	vst v49  }
0x29: {  	v54 =	vld [tilespmem:$0xA0];
	v53 =	vshrl.u32 v5, $0x1;
	[tilespmem:$0x240] =	vst v51  }
0x2a: {  	v56 =	vld [tilespmem:$0xB0];
	v55 =	vshrl.u32 v46, $0x1;
	[tilespmem:$0x250] =	vst v53  }
0x2b: {  	v58 =	vld [tilespmem:$0xC0];
	v57 =	vshrl.u32 v48, $0x1;
	[tilespmem:$0x260] =	vst v55  }
0x2c: {  	v59 =	vshrl.u32 v50, $0x1;
	[tilespmem:$0x270] =	vst v57  }
0x2d: {  	v60 =	vshrl.u32 v52, $0x1;
	[tilespmem:$0x280] =	vst v59  }
0x2e: {  	v61 =	vshrl.u32 v54, $0x1;
	[tilespmem:$0x290] =	vst v60  }
0x2f: {  	v62 =	vshrl.u32 v56, $0x1;
	[tilespmem:$0x2A0] =	vst v61  }
0x30: {  	v63 =	vshrl.u32 v58, $0x1;
	[tilespmem:$0x2B0] =	vst v62  }
0x31: {  	[tilespmem:$0x2C0] =	vst v63  }
0x32: {  	[tilespmem:s15], [sflag:$0x3] =	stream.indirect.gather [hbm4b:s4+s13], $0x80, s14, s13, $0xb8;
	[tilespmem:$0x19400] =	vst v63  }
0x33: {  	s28 =	simm.s32 $0x0;
	s31 =	rddreg [dreg:$0x4]  }
0x34: {  	[tilespmem:s16], [sflag:$0x2] =	stream.linear.gather [hbm4b:s31+s3], $0xC8, $0x38;
	[tilespmem:$0x19400] =	vst v63  }
.LBB2_2:
0x35: {  	_ =	swait.ge [sflag:s17], $0x6400  }
0x36: {  	[sflag:s17] =	ssyncset.done $0x0  }
0x37: {  	[sflag:s17] =	ssyncadd.s32 $0xFFFF9C00  }
0x38: {  	_ =	swait.ge [sflag:s18], $0xC8  }
0x39: {  	[sflag:s18] =	ssyncset.done $0x0  }
0x3a: {  	[sflag:s18] =	ssyncadd.s32 $0xFFFFFF38  }
0x3b: {  	v0 =	vld [tilespmem:$0x100]  }
0x3c: {  	v1 =	vld [tilespmem:$0x110]  }
0x3d: {  	v2 =	vld [tilespmem:$0x120]  }
0x3e: {  	v3 =	vld [tilespmem:$0x130]  }
0x3f: {  	v4 =	vld [tilespmem:$0x140]  }
0x40: {  	v5 =	vld [tilespmem:$0x150];
	v0 =	vshrl.u32 v0, $0x1  }
0x41: {  	[tilespmem:$0x300] =	vst v0;
	v0 =	vshrl.u32 v1, $0x1;
	v1 =	vld [tilespmem:$0x160]  }
0x42: {  	[tilespmem:$0x310] =	vst v0;
	v0 =	vshrl.u32 v2, $0x1;
	v2 =	vld [tilespmem:$0x170]  }
0x43: {  	[tilespmem:$0x320] =	vst v0;
	v0 =	vshrl.u32 v3, $0x1;
	v3 =	vld [tilespmem:$0x180]  }
0x44: {  	[tilespmem:$0x330] =	vst v0;
	v0 =	vshrl.u32 v4, $0x1;
	v4 =	vld [tilespmem:$0x190]  }
0x45: {  	[tilespmem:$0x340] =	vst v0;
	v0 =	vshrl.u32 v5, $0x1;
	v5 =	vld [tilespmem:$0x1A0]  }
0x46: {  	[tilespmem:$0x350] =	vst v0;
	v0 =	vshrl.u32 v1, $0x1;
	v1 =	vld [tilespmem:$0x1B0]  }
0x47: {  	[tilespmem:$0x360] =	vst v0;
	v0 =	vshrl.u32 v2, $0x1;
	v2 =	vld [tilespmem:$0x1C0]  }
0x48: {  	[tilespmem:$0x370] =	vst v0;
	v0 =	vshrl.u32 v3, $0x1  }
0x49: {  	[tilespmem:$0x380] =	vst v0;
	v0 =	vshrl.u32 v4, $0x1  }
0x4a: {  	s7 =	simm.s32 $0x2;
	[tilespmem:$0x390] =	vst v0;
	v0 =	vshrl.u32 v5, $0x1  }
0x4b: {  	v3 =	vmov s7;
	[tilespmem:$0x3A0] =	vst v0;
	v0 =	vshrl.u32 v1, $0x1  }
0x4c: {  	s0 =	simm.s32 $0x0;
	s1 =	simm.s32 $0x3;
	p1 =	seq.s32 s28, $0x0;
	v3 =	vand.u32 $0xFFFFFFFE, v3;
	[tilespmem:$0x3B0] =	vst v0;
	v0 =	vshrl.u32 v2, $0x1  }
0x4d: {  	v3 =	vbroadcast v3, $0x0;
	v1 =	vmov s1;
	[tilespmem:$0x3C0] =	vst v0;
	v0 =	vmov s0;
	s0 =	simm.s32 @!p1 $0x5  }
0x4e: {  	[tilespmem:s20], [sflag:$0x4] =	stream.indirect.gather [hbm4b:s4+s13], $0x80, s19, s13, $0xb8;
	[tilespmem:$0x19400] =	vst v63  }
0x4f: {  	_ =	swait.ge @!p1 [sflag:s0], $0x6400  }
0x50: {  	s6 =	simm.s32 $0x1;
	v0 =	vand.u32 $0xFFFFFFFC, v0;
	[sflag:s0] =	ssyncset.done @!p1 $0x0  }
0x51: {  	v2 =	vmov s6;
	v0 =	vbroadcast v0, $0x0;
	[sflag:s0] =	ssyncadd.s32 @!p1 $0xFFFF9C00  }
0x52: {  	v2 =	vand.u32 $0xFFFFFFFD, v2;
	v1 =	vld.idx.msk [tilespmem:v1+s3+$0x0], $0xffff  }
0x53: {  	v2 =	vbroadcast v2, $0x0;
	s0 =	simm.s32 $0x500;
	v3 =	vld.idx.msk [tilespmem:v3+s3+$0x0], $0xffff  }
0x54: {  	v4 =	vld [tilespmem:s0+$0x0]  }
0x55: {  	v5 =	vld [tilespmem:s0+$0x40]  }
0x56: {  	v6 =	vld [tilespmem:s0+$0xFFFFFF00]  }
0x57: {  	v0 =	vld.idx.msk [tilespmem:v0+s3+$0x0], $0xffff  }
0x58: {  	v7 =	vld [tilespmem:s0+$0xFFFFFF40]  }
0x59: {  	v2 =	vld.idx.msk [tilespmem:v2+s3+$0x0], $0xffff  }
0x5a: {  	v8 =	vld [tilespmem:s0+$0xFFFFFF80];
	v3 =	vand.u32 $0x1, v3  }
0x5b: {  	v9 =	vld [tilespmem:s0+$0xFFFFFFC0];
	vm0 =	veq.s32 v3, $0x0  }
0x5c: {  	v3 =	vsel vm0, v4, v5;
	v4 =	vld [tilespmem:s0+$0x80];
	v0 =	vand.u32 $0x1, v0  }
0x5d: {  	vm1 =	veq.s32 v0, $0x0;
	v0 =	vmul.f32 $8.000000000e+00, v3;
	v3 =	vld [tilespmem:s0+$0xC0]  }
0x5e: {  	s30 =	simm.s32 $0xCD00;
	v2 =	vand.u32 $0x1, v2;
	v5 =	vsel vm1, v6, v7  }
0x5f: {  	vm2 =	veq.s32 v2, $0x0;
	v5 =	vmul.f32 $8.000000000e+00, v5;
	[tilespmem:s30+$0x0] =	vst v0  }
0x60: {  	v1 =	vand.u32 $0x1, v1;
	v0 =	vsel vm2, v8, v9;
	v2 =	vld [tilespmem:s0+$0x10]  }
0x61: {  	vm3 =	veq.s32 v1, $0x0;
	v0 =	vmul.f32 $8.000000000e+00, v0;
	[tilespmem:s30+$0xFFFFFF00] =	vst v5;
	v5 =	vld [tilespmem:s0+$0x50]  }
0x62: {  	v1 =	vld [tilespmem:s0+$0xFFFFFF10];
	v3 =	vsel vm3, v4, v3  }
0x63: {  	v4 =	vld [tilespmem:s0+$0xFFFFFF50];
	[tilespmem:s30+$0xFFFFFF80] =	vst v0;
	v0 =	vmul.f32 $8.000000000e+00, v3  }
0x64: {  	v6 =	vld [tilespmem:s0+$0xFFFFFF90]  }
0x65: {  	s11 =	simm.s32 $0x7;
	v7 =	vld [tilespmem:s0+$0xFFFFFFD0];
	[tilespmem:s30+$0x80] =	vst v0  }
0x66: {  	v3 =	vmov s11;
	v0 =	vsel vm0, v2, v5;
	v2 =	vld [tilespmem:s0+$0x90]  }
0x67: {  	v8 =	vld [tilespmem:s0+$0xD0]  }
0x68: {  	v5 =	vmul.f32 $8.000000000e+00, v0;
	v1 =	vsel vm1, v1, v4  }
0x69: {  	vm2 =	vmmov vm2;
	v1 =	vmul.f32 $8.000000000e+00, v1  }
0x6a: {  	v4 =	vsel vm2, v6, v7;
	[tilespmem:s30+$0x10] =	vst v5  }
0x6b: {  	s6 =	simm.s32 $0x4;
	v0 =	vld.idx.msk [tilespmem:v3+s3+$0x0], $0xffff;
	[tilespmem:s30+$0xFFFFFF10] =	vst v1;
	v1 =	vmul.f32 $8.000000000e+00, v4  }
0x6c: {  	s7 =	simm.s32 $0x5;
	v3 =	vmov s6;
	v5 =	vld [tilespmem:s0+$0x20];
	v2 =	vsel vm3, v2, v8  }
0x6d: {  	v3 =	vand.u32 $0xFFFFFFFC, v3;
	v7 =	vld [tilespmem:s0+$0x60];
	[tilespmem:s30+$0xFFFFFF90] =	vst v1;
	v1 =	vmul.f32 $8.000000000e+00, v2;
	v2 =	vmov s7  }
0x6e: {  	v10 =	vbroadcast v3, $0x0;
	v11 =	vld [tilespmem:s0+$0xFFFFFF20];
	v2 =	vand.u32 $0xFFFFFFFD, v2  }
0x6f: {  	v8 =	vld [tilespmem:s0+$0xFFFFFF60];
	v6 =	vbroadcast v2, $0x0  }
0x70: {  	v3 =	vld [tilespmem:s0+$0xFFFFFFA0]  }
0x71: {  	s11 =	simm.s32 $0x6;
	v4 =	vld [tilespmem:s0+$0xFFFFFFE0];
	[tilespmem:s30+$0x90] =	vst v1  }
0x72: {  	v2 =	vmov s11;
	v1 =	vld [tilespmem:s0+$0xA0];
	v5 =	vsel vm0, v5, v7  }
0x73: {  	s31 =	sshll.u32 s28, $0x1;
	s29 =	sshllo.u32 s28, $0x1;
	v7 =	vand.u32 $0xFFFFFFFE, v2;
	v2 =	vld [tilespmem:s0+$0xE0];
	v9 =	vmul.f32 $8.000000000e+00, v5  }
0x74: {  	s1 =	simm.s32 $0xCD00;
	vm3 =	vmmov vm3;
	s7 =	simm.s32 $0x500;
	s11 =	simm.s32 $0x8;
	v5 =	vld.idx.msk [tilespmem:v10+s3+$0x0], $0xffff;
	v7 =	vbroadcast v7, $0x0;
	v8 =	vsel vm1, v11, v8  }
.LBB2_3:
0x75: {  	p0 =	slt.u32 s11, $0xC4;
	v6 =	vld.idx.msk [tilespmem:v6+s3+$0x0], $0xffff;
	v8 =	vmul.f32 $8.000000000e+00, v8;
	[tilespmem:s30+$0x20] =	vst v9  }
0x76: {  	v3 =	vsel vm2, v3, v4;
	v4 =	vld [tilespmem:s0+$0x30]  }
0x77: {  	[tilespmem:s30+$0xFFFFFF20] =	vst v8;
	v3 =	vmul.f32 $8.000000000e+00, v3;
	v8 =	vld [tilespmem:s0+$0x70]  }
0x78: {  	v9 =	vld [tilespmem:s0+$0xFFFFFF30];
	v1 =	vsel vm3, v1, v2  }
0x79: {  	v2 =	vld [tilespmem:s0+$0xFFFFFF70];
	[tilespmem:s30+$0xFFFFFFA0] =	vst v3;
	v1 =	vmul.f32 $8.000000000e+00, v1  }
0x7a: {  	v3 =	vld.idx.msk [tilespmem:v7+s3+$0x0], $0xffff  }
0x7b: {  	s0 =	sadd.s32 $0x200, s0;
	v7 =	vld [tilespmem:s7+$0xFFFFFFB0];
	[tilespmem:s30+$0xA0] =	vst v1  }
0x7c: {  	v1 =	vld [tilespmem:s0+$0x0];
	v4 =	vsel vm0, v4, v8  }
0x7d: {  	v8 =	vld [tilespmem:s0+$0x40];
	v4 =	vmul.f32 $8.000000000e+00, v4  }
0x7e: {  	v10 =	vld [tilespmem:s0+$0xFFFFFF00];
	v2 =	vsel vm1, v9, v2  }
0x7f: {  	v9 =	vld [tilespmem:s0+$0xFFFFFF40];
	v2 =	vmul.f32 $8.000000000e+00, v2;
	[tilespmem:s30+$0x30] =	vst v4  }
0x80: {  	v3 =	vand.u32 $0x1, v3;
	v4 =	vld [tilespmem:s0+$0xFFFFFF80]  }
0x81: {  	vm0 =	veq.s32 v3, $0x0;
	v11 =	vld [tilespmem:s0+$0xFFFFFFC0];
	[tilespmem:s30+$0xFFFFFF30] =	vst v2  }
0x82: {  	v2 =	vand.u32 $0x1, v5;
	v1 =	vsel vm0, v1, v8;
	v3 =	vld [tilespmem:s0+$0x80]  }
0x83: {  	vm1 =	veq.s32 v2, $0x0;
	v1 =	vmul.f32 $8.000000000e+00, v1;
	v2 =	vld [tilespmem:s0+$0xC0]  }
0x84: {  	v6 =	vand.u32 $0x1, v6;
	s30 =	sadd.s32 $0x200, s30;
	v5 =	vsel vm1, v10, v9;
	v8 =	vld [tilespmem:s7+$0xFFFFFFF0]  }
0x85: {  	vm5 =	veq.s32 v6, $0x0;
	v5 =	vmul.f32 $8.000000000e+00, v5;
	[tilespmem:s30+$0x0] =	vst v1;
	v1 =	vld [tilespmem:s7+$0xB0]  }
0x86: {  	v0 =	vand.u32 $0x1, v0;
	v4 =	vsel vm5, v4, v11;
	v6 =	vld [tilespmem:s0+$0x10]  }
0x87: {  	vm4 =	veq.s32 v0, $0x0;
	[tilespmem:s30+$0xFFFFFF00] =	vst v5;
	v4 =	vmul.f32 $8.000000000e+00, v4;
	v5 =	vld [tilespmem:s0+$0x50]  }
0x88: {  	v0 =	vld [tilespmem:s0+$0xFFFFFF10];
	v2 =	vsel vm4, v3, v2  }
0x89: {  	s6 =	sadd.s32 $0x3, s11;
	v3 =	vld [tilespmem:s0+$0xFFFFFF50];
	[tilespmem:s30+$0xFFFFFF80] =	vst v4;
	v2 =	vmul.f32 $8.000000000e+00, v2;
	v4 =	vsel vm2, v7, v8;
	vm2 =	vmmov vm5  }
0x8a: {  	v7 =	vmov s6;
	v8 =	vld [tilespmem:s0+$0xFFFFFF90];
	v4 =	vmul.f32 $8.000000000e+00, v4  }
0x8b: {  	v9 =	vld [tilespmem:s0+$0xFFFFFFD0];
	[tilespmem:s30+$0x80] =	vst v2  }
0x8c: {  	v2 =	vsel vm0, v6, v5;
	v5 =	vld [tilespmem:s0+$0x90];
	[tilespmem:s1+$0xFFFFFFB0] =	vst v4  }
0x8d: {  	v2 =	vmul.f32 $8.000000000e+00, v2;
	v4 =	vld [tilespmem:s0+$0xD0]  }
0x8e: {  	v3 =	vsel vm1, v0, v3;
	v10 =	vld [tilespmem:s7+$0xF0];
	s7 =	smov.u32 s0  }
0x8f: {  	v0 =	vld.idx.msk [tilespmem:v7+s3+$0x0], $0xffff;
	v3 =	vmul.f32 $8.000000000e+00, v3;
	[tilespmem:s30+$0x10] =	vst v2  }
0x90: {  	s6 =	sadd.s32 $0x1, s11;
	v2 =	vmov s11;
	v6 =	vsel vm2, v8, v9;
	v7 =	vld [tilespmem:s0+$0x20]  }
0x91: {  	v2 =	vand.u32 $0xFFFFFFFC, v2;
	v8 =	vmov s6;
	[tilespmem:s30+$0xFFFFFF10] =	vst v3;
	v3 =	vmul.f32 $8.000000000e+00, v6;
	v9 =	vld [tilespmem:s0+$0x60]  }
0x92: {  	v11 =	vbroadcast v2, $0x0;
	v2 =	vand.u32 $0xFFFFFFFD, v8;
	v8 =	vld [tilespmem:s0+$0xFFFFFF20];
	v4 =	vsel vm4, v5, v4  }
0x93: {  	v6 =	vbroadcast v2, $0x0;
	v12 =	vld [tilespmem:s0+$0xFFFFFF60];
	[tilespmem:s30+$0xFFFFFF90] =	vst v3;
	v2 =	vmul.f32 $8.000000000e+00, v4;
	v1 =	vsel vm3, v1, v10  }
.Ltmp2:
0x94: {  	vm3 =	vmmov vm4;
	v3 =	vld [tilespmem:s0+$0xFFFFFFA0];
	v5 =	vmul.f32 $8.000000000e+00, v1;
	(pc) =	sbr.rel @p0 .LBB2_3-.Ltmp2, $4  }
0x95: {  	s6 =	sadd.s32 $0x2, s11;
	v4 =	vld [tilespmem:s0+$0xFFFFFFE0];
	[tilespmem:s30+$0x90] =	vst v2  }
0x96: {  	v2 =	vmov s6;
	v7 =	vsel vm0, v7, v9;
	v1 =	vld [tilespmem:s0+$0xA0];
	[tilespmem:s1+$0xB0] =	vst v5;
	s1 =	smov.u32 s30  }
0x97: {  	v10 =	vand.u32 $0xFFFFFFFE, v2;
	v9 =	vmul.f32 $8.000000000e+00, v7;
	v2 =	vld [tilespmem:s0+$0xE0]  }
0x98: {  	s11 =	sadd.s32 $0x4, s11;
	v7 =	vbroadcast v10, $0x0;
	v5 =	vld.idx.msk [tilespmem:v11+s3+$0x0], $0xffff;
	v8 =	vsel vm1, v8, v12  }
0x99: {  	_ =	sdelay $0x3  }
0x9a: {  	v6 =	vld.idx.msk [tilespmem:v6+s3+$0x0], $0xffff;
	[tilespmem:s30+$0x20] =	vst v9  }
0x9b: {  	v9 =	vld [tilespmem:s0+$0x30]  }
0x9c: {  	v10 =	vld [tilespmem:s0+$0x70]  }
0x9d: {  	s6 =	sadd.s32 $0x200, s0;
	v7 =	vld.idx.msk [tilespmem:v7+s3+$0x0], $0xffff  }
0x9e: {  	v13 =	vld [tilespmem:s6+$0xFFFFFF00]  }
0x9f: {  	v14 =	vld [tilespmem:s6+$0xFFFFFF40]  }
0xa0: {  	v19 =	vld [tilespmem:s6+$0x80]  }
0xa1: {  	v21 =	vld [tilespmem:s6+$0xC0]  }
0xa2: {  	v11 =	vld [tilespmem:s6+$0x0];
	v5 =	vand.u32 $0x1, v5  }
0xa3: {  	v8 =	vmul.f32 $8.000000000e+00, v8;
	v12 =	vld [tilespmem:s6+$0x40];
	vm5 =	veq.s32 v5, $0x0  }
0xa4: {  	v0 =	vand.u32 $0x1, v0;
	v15 =	vld [tilespmem:s6+$0xFFFFFF80];
	v13 =	vsel vm5, v13, v14  }
0xa5: {  	v18 =	vld [tilespmem:s6+$0xFFFFFFC0];
	vm7 =	veq.s32 v0, $0x0;
	[tilespmem:s30+$0xFFFFFF20] =	vst v8;
	v24 =	vmul.f32 $8.000000000e+00, v13  }
0xa6: {  	s11 =	sadd.s32 $0x200, s30;
	v22 =	vld [tilespmem:s0+$0xFFFFFF30];
	v7 =	vand.u32 $0x1, v7;
	v8 =	vsel vm7, v19, v21  }
0xa7: {  	v23 =	vld [tilespmem:s0+$0xFFFFFF70];
	vm4 =	veq.s32 v7, $0x0;
	v30 =	vmul.f32 $8.000000000e+00, v8;
	[tilespmem:s11+$0xFFFFFF00] =	vst v24  }
0xa8: {  	v6 =	vand.u32 $0x1, v6;
	v11 =	vsel vm4, v11, v12;
	v28 =	vld [tilespmem:s6+$0xFFFFFF10]  }
0xa9: {  	vm6 =	veq.s32 v6, $0x0;
	v20 =	vmul.f32 $8.000000000e+00, v11;
	[tilespmem:s11+$0x80] =	vst v30;
	v29 =	vld [tilespmem:s6+$0xFFFFFF50]  }
0xaa: {  	v6 =	vsel vm6, v15, v18;
	v34 =	vld [tilespmem:s6+$0x90]  }
0xab: {  	v26 =	vmul.f32 $8.000000000e+00, v6;
	v36 =	vld [tilespmem:s6+$0xD0];
	[tilespmem:s11+$0x0] =	vst v20  }
0xac: {  	v3 =	vsel vm2, v3, v4;
	v25 =	vld [tilespmem:s6+$0x10]  }
0xad: {  	v3 =	vmul.f32 $8.000000000e+00, v3;
	[tilespmem:s11+$0xFFFFFF80] =	vst v26;
	v27 =	vld [tilespmem:s6+$0x50]  }
0xae: {  	v31 =	vld [tilespmem:s6+$0xFFFFFF90];
	v0 =	vsel vm5, v28, v29  }
0xaf: {  	[tilespmem:s30+$0xFFFFFFA0] =	vst v3;
	v32 =	vld [tilespmem:s6+$0xFFFFFFD0];
	v0 =	vmul.f32 $8.000000000e+00, v0  }
0xb0: {  	v37 =	vld [tilespmem:s7+$0xFFFFFFB0];
	v5 =	vsel vm7, v34, v36  }
0xb1: {  	v38 =	vld [tilespmem:s7+$0xFFFFFFF0];
	v45 =	vmul.f32 $8.000000000e+00, v5;
	[tilespmem:s11+$0xFFFFFF10] =	vst v0  }
0xb2: {  	v33 =	vsel vm4, v25, v27;
	v43 =	vld [tilespmem:s6+$0xFFFFFF20]  }
0xb3: {  	vm6 =	vmmov vm6;
	v35 =	vmul.f32 $8.000000000e+00, v33;
	[tilespmem:s11+$0x90] =	vst v45;
	v44 =	vld [tilespmem:s6+$0xFFFFFF60]  }
0xb4: {  	v39 =	vsel vm6, v31, v32;
	v49 =	vld [tilespmem:s6+$0xA0]  }
0xb5: {  	v41 =	vmul.f32 $8.000000000e+00, v39;
	v50 =	vld [tilespmem:s6+$0xE0];
	[tilespmem:s11+$0x10] =	vst v35  }
0xb6: {  	v1 =	vsel vm3, v1, v2;
	v40 =	vld [tilespmem:s6+$0x20]  }
0xb7: {  	v1 =	vmul.f32 $8.000000000e+00, v1;
	[tilespmem:s11+$0xFFFFFF90] =	vst v41;
	v42 =	vld [tilespmem:s6+$0x60]  }
0xb8: {  	v46 =	vld [tilespmem:s6+$0xFFFFFFA0];
	v6 =	vsel vm5, v43, v44  }
0xb9: {  	[tilespmem:s30+$0xA0] =	vst v1;
	vm7 =	vmmov vm7;
	v47 =	vld [tilespmem:s6+$0xFFFFFFE0];
	v6 =	vmul.f32 $8.000000000e+00, v6  }
0xba: {  	v51 =	vld [tilespmem:s7+$0xB0];
	v1 =	vsel vm7, v49, v50  }
0xbb: {  	v52 =	vld [tilespmem:s7+$0xF0];
	v57 =	vmul.f32 $8.000000000e+00, v1;
	[tilespmem:s11+$0xFFFFFF20] =	vst v6  }
0xbc: {  	v48 =	vsel vm4, v40, v42;
	v6 =	vld [tilespmem:s6+$0xFFFFFF30]  }
0xbd: {  	v0 =	vmul.f32 $8.000000000e+00, v48;
	[tilespmem:s11+$0xA0] =	vst v57;
	v56 =	vld [tilespmem:s6+$0xFFFFFF70]  }
0xbe: {  	v53 =	vsel vm6, v46, v47;
	v61 =	vld [tilespmem:s6+$0xB0]  }
0xbf: {  	v62 =	vld [tilespmem:s6+$0xF0];
	[tilespmem:s11+$0x20] =	vst v0;
	v0 =	vmul.f32 $8.000000000e+00, v53  }
0xc0: {  	v54 =	vld [tilespmem:s6+$0x30]  }
0xc1: {  	v9 =	vsel vm0, v9, v10;
	v55 =	vld [tilespmem:s6+$0x70];
	[tilespmem:s11+$0xFFFFFFA0] =	vst v0  }
0xc2: {  	v9 =	vmul.f32 $8.000000000e+00, v9;
	v60 =	vsel vm1, v22, v23;
	v58 =	vld [tilespmem:s6+$0xFFFFFFB0]  }
0xc3: {  	v10 =	vmul.f32 $8.000000000e+00, v60;
	v7 =	vsel vm2, v37, v38;
	v59 =	vld [tilespmem:s6+$0xFFFFFFF0]  }
0xc4: {  	[tilespmem:s30+$0x30] =	vst v9;
	v7 =	vmul.f32 $8.000000000e+00, v7;
	v4 =	vsel vm3, v51, v52  }
0xc5: {  	[tilespmem:s30+$0xFFFFFF30] =	vst v10;
	v4 =	vmul.f32 $8.000000000e+00, v4;
	v3 =	vsel vm5, v6, v56  }
0xc6: {  	[tilespmem:s1+$0xFFFFFFB0] =	vst v7;
	v63 =	vsel vm7, v61, v62;
	v3 =	vmul.f32 $8.000000000e+00, v3  }
0xc7: {  	p0 =	seq.s32 s28, $0x3F;
	[tilespmem:s1+$0xB0] =	vst v4;
	v1 =	vmul.f32 $8.000000000e+00, v63;
	v2 =	vsel vm4, v54, v55  }
.Ltmp3:
0xc8: {  	s31 =	sadd.s32 s8, s31;
	v2 =	vmul.f32 $8.000000000e+00, v2;
	[tilespmem:s11+$0xFFFFFF30] =	vst v3;
	v0 =	vsel vm6, v58, v59;
	(pc) =	sbr.rel @!p0 .LBB2_5-.Ltmp3, $4  }
0xc9: {  	s0 =	smul.u32 $0xC80, s31;
	[tilespmem:s11+$0xB0] =	vst v1;
	v0 =	vmul.f32 $8.000000000e+00, v0  }
0xca: {  	[tilespmem:s11+$0x30] =	vst v2  }
0xcb: {  	s0 =	sadd.s32 s5, s0;
	[tilespmem:s11+$0xFFFFFFB0] =	vst v0  }
0xcc: {  	[hbm4b:s0+s3] =	stream.linear.scatter [tilespmem:s21], [sflag:$0x5], $0x6400, $0x38;
	[tilespmem:$0x19400] =	vst v63  }
.Ltmp4:
0xcd: {  	(pc) =	sbr.rel .LBB2_7-.Ltmp4, $4  }
0xce: {  	_ = 	snop  }
0xcf: {  	_ =	swait.ge [sflag:s22], $0x6400  }
0xd0: {  	[sflag:s22] =	ssyncset.done $0x0  }
0xd1: {  	[sflag:s22] =	ssyncadd.s32 $0xFFFF9C00  }
.LBB2_5:
0xd2: {  	s0 =	smul.u32 $0x190, s28;
	_ =	sdelay $0x1  }
0xd3: {  	s0 =	sadd.s32 s0, s9  }
0xd4: {  	s0 =	sshrl.u32 s0, $0x3  }
0xd5: {  	s0 =	sadd.s32 s2, s0  }
0xd6: {  	[tilespmem:s3], [sflag:$0x1] =	stream.linear.gather [hbm4b:s0+s3], $0xC8, $0x38;
	[tilespmem:$0x19400] =	vst v63  }
0xd7: {  	_ =	swait.ge [sflag:s22], $0x6400  }
0xd8: {  	[sflag:s22] =	ssyncset.done $0x0  }
0xd9: {  	[sflag:s22] =	ssyncadd.s32 $0xFFFF9C00  }
0xda: {  	_ =	swait.ge [sflag:s12], $0xC8  }
0xdb: {  	[sflag:s12] =	ssyncset.done $0x0  }
0xdc: {  	[sflag:s12] =	ssyncadd.s32 $0xFFFFFF38  }
0xdd: {  	v0 =	vld [tilespmem:$0x0]  }
0xde: {  	v1 =	vld [tilespmem:$0x10]  }
0xdf: {  	v2 =	vld [tilespmem:$0x20]  }
0xe0: {  	v3 =	vld [tilespmem:$0x30]  }
0xe1: {  	v4 =	vld [tilespmem:$0x40]  }
0xe2: {  	v5 =	vld [tilespmem:$0x50];
	v0 =	vshrl.u32 v0, $0x1  }
0xe3: {  	v46 =	vld [tilespmem:$0x60];
	v45 =	vshrl.u32 v1, $0x1;
	[tilespmem:$0x200] =	vst v0  }
0xe4: {  	v48 =	vld [tilespmem:$0x70];
	v47 =	vshrl.u32 v2, $0x1;
	[tilespmem:$0x210] =	vst v45  }
0xe5: {  	v50 =	vld [tilespmem:$0x80];
	v49 =	vshrl.u32 v3, $0x1;
	[tilespmem:$0x220] =	vst v47  }
0xe6: {  	v52 =	vld [tilespmem:$0x90];
	v51 =	vshrl.u32 v4, $0x1;
	[tilespmem:$0x230] =	vst v49  }
0xe7: {  	v54 =	vld [tilespmem:$0xA0];
	v53 =	vshrl.u32 v5, $0x1;
	[tilespmem:$0x240] =	vst v51  }
0xe8: {  	v56 =	vld [tilespmem:$0xB0];
	v55 =	vshrl.u32 v46, $0x1;
	[tilespmem:$0x250] =	vst v53  }
0xe9: {  	v58 =	vld [tilespmem:$0xC0];
	v57 =	vshrl.u32 v48, $0x1;
	[tilespmem:$0x260] =	vst v55  }
0xea: {  	v59 =	vshrl.u32 v50, $0x1;
	[tilespmem:$0x270] =	vst v57  }
0xeb: {  	v60 =	vshrl.u32 v52, $0x1;
	[tilespmem:$0x280] =	vst v59  }
.Ltmp5:
0xec: {  	v61 =	vshrl.u32 v54, $0x1;
	[tilespmem:$0x290] =	vst v60;
	(pc) =	sbr.rel @p1 .LBB2_8-.Ltmp5, $4  }
0xed: {  	v62 =	vshrl.u32 v56, $0x1;
	[tilespmem:$0x2A0] =	vst v61  }
0xee: {  	v63 =	vshrl.u32 v58, $0x1;
	[tilespmem:$0x2B0] =	vst v62  }
0xef: {  	[tilespmem:$0x2C0] =	vst v63  }
0xf0: {  	[tilespmem:s15], [sflag:$0x3] =	stream.indirect.gather [hbm4b:s4+s13], $0x80, s14, s13, $0xb8;
	[tilespmem:$0x19400] =	vst v63  }
.LBB2_7:
0xf1: {  	_ =	swait.ge [sflag:s23], $0x6400  }
0xf2: {  	[sflag:s23] =	ssyncset.done $0x0  }
0xf3: {  	[sflag:s23] =	ssyncadd.s32 $0xFFFF9C00  }
.LBB2_8:
0xf4: {  	s1 =	simm.s32 $0x3  }
0xf5: {  	v1 =	vmov s1;
	s1 =	simm.s32 $0x2  }
0xf6: {  	v3 =	vmov s1  }
0xf7: {  	s0 =	simm.s32 $0x0;
	v3 =	vand.u32 $0xFFFFFFFE, v3  }
0xf8: {  	v0 =	vmov s0;
	v3 =	vbroadcast v3, $0x0  }
0xf9: {  	s31 =	simm.s32 $0x1;
	v0 =	vand.u32 $0xFFFFFFFC, v0  }
0xfa: {  	v2 =	vmov s31;
	s0 =	simm.s32 $0x6900;
	v0 =	vbroadcast v0, $0x0  }
0xfb: {  	v2 =	vand.u32 $0xFFFFFFFD, v2;
	v4 =	vld [tilespmem:s0+$0x0]  }
0xfc: {  	v5 =	vld [tilespmem:s0+$0x40];
	v2 =	vbroadcast v2, $0x0  }
0xfd: {  	v6 =	vld [tilespmem:s0+$0xFFFFFF00]  }
0xfe: {  	v3 =	vld.idx.msk [tilespmem:v3+s16+$0x0], $0xffff  }
0xff: {  	v7 =	vld [tilespmem:s0+$0xFFFFFF40]  }
0x100: {  	v0 =	vld.idx.msk [tilespmem:v0+s16+$0x0], $0xffff  }
0x101: {  	v8 =	vld [tilespmem:s0+$0xFFFFFF80]  }
0x102: {  	v2 =	vld.idx.msk [tilespmem:v2+s16+$0x0], $0xffff  }
0x103: {  	v9 =	vld [tilespmem:s0+$0xFFFFFFC0];
	v3 =	vand.u32 $0x1, v3  }
0x104: {  	v1 =	vld.idx.msk [tilespmem:v1+s16+$0x0], $0xffff;
	vm0 =	veq.s32 v3, $0x0  }
0x105: {  	v0 =	vand.u32 $0x1, v0;
	v3 =	vsel vm0, v4, v5;
	v4 =	vld [tilespmem:s0+$0x80]  }
0x106: {  	vm1 =	veq.s32 v0, $0x0;
	v0 =	vmul.f32 $8.000000000e+00, v3;
	v3 =	vld [tilespmem:s0+$0xC0]  }
0x107: {  	s30 =	simm.s32 $0x13100;
	v2 =	vand.u32 $0x1, v2;
	v5 =	vsel vm1, v6, v7  }
0x108: {  	vm2 =	veq.s32 v2, $0x0;
	v5 =	vmul.f32 $8.000000000e+00, v5;
	[tilespmem:s30+$0x0] =	vst v0  }
0x109: {  	v1 =	vand.u32 $0x1, v1;
	v0 =	vsel vm2, v8, v9;
	v2 =	vld [tilespmem:s0+$0x10]  }
0x10a: {  	vm3 =	veq.s32 v1, $0x0;
	[tilespmem:s30+$0xFFFFFF00] =	vst v5;
	v0 =	vmul.f32 $8.000000000e+00, v0;
	v5 =	vld [tilespmem:s0+$0x50]  }
0x10b: {  	v1 =	vld [tilespmem:s0+$0xFFFFFF10];
	v3 =	vsel vm3, v4, v3  }
0x10c: {  	v4 =	vld [tilespmem:s0+$0xFFFFFF50];
	[tilespmem:s30+$0xFFFFFF80] =	vst v0;
	v0 =	vmul.f32 $8.000000000e+00, v3  }
0x10d: {  	v6 =	vld [tilespmem:s0+$0xFFFFFF90]  }
0x10e: {  	s6 =	simm.s32 $0x7;
	v7 =	vld [tilespmem:s0+$0xFFFFFFD0];
	[tilespmem:s30+$0x80] =	vst v0  }
0x10f: {  	v3 =	vmov s6;
	v0 =	vsel vm0, v2, v5;
	v2 =	vld [tilespmem:s0+$0x90]  }
0x110: {  	v8 =	vld [tilespmem:s0+$0xD0]  }
0x111: {  	v5 =	vmul.f32 $8.000000000e+00, v0;
	v1 =	vsel vm1, v1, v4  }
0x112: {  	vm2 =	vmmov vm2;
	v1 =	vmul.f32 $8.000000000e+00, v1  }
0x113: {  	[tilespmem:s30+$0x10] =	vst v5;
	v4 =	vsel vm2, v6, v7  }
0x114: {  	s7 =	simm.s32 $0x4;
	v0 =	vld.idx.msk [tilespmem:v3+s16+$0x0], $0xffff;
	[tilespmem:s30+$0xFFFFFF10] =	vst v1;
	v1 =	vmul.f32 $8.000000000e+00, v4  }
0x115: {  	s11 =	simm.s32 $0x5;
	v3 =	vmov s7;
	v5 =	vld [tilespmem:s0+$0x20];
	v2 =	vsel vm3, v2, v8  }
0x116: {  	v3 =	vand.u32 $0xFFFFFFFC, v3;
	v7 =	vld [tilespmem:s0+$0x60];
	[tilespmem:s30+$0xFFFFFF90] =	vst v1;
	v1 =	vmul.f32 $8.000000000e+00, v2;
	v2 =	vmov s11  }
0x117: {  	v10 =	vbroadcast v3, $0x0;
	v11 =	vld [tilespmem:s0+$0xFFFFFF20];
	v2 =	vand.u32 $0xFFFFFFFD, v2  }
0x118: {  	v8 =	vld [tilespmem:s0+$0xFFFFFF60];
	v6 =	vbroadcast v2, $0x0  }
0x119: {  	v3 =	vld [tilespmem:s0+$0xFFFFFFA0]  }
0x11a: {  	s31 =	simm.s32 $0x6;
	v4 =	vld [tilespmem:s0+$0xFFFFFFE0];
	[tilespmem:s30+$0x90] =	vst v1  }
0x11b: {  	v2 =	vmov s31;
	v5 =	vsel vm0, v5, v7;
	v1 =	vld [tilespmem:s0+$0xA0]  }
0x11c: {  	v7 =	vand.u32 $0xFFFFFFFE, v2;
	v2 =	vld [tilespmem:s0+$0xE0];
	v9 =	vmul.f32 $8.000000000e+00, v5  }
0x11d: {  	s1 =	simm.s32 $0x13100;
	s7 =	simm.s32 $0x6900;
	vm3 =	vmmov vm3;
	s11 =	simm.s32 $0x8;
	v5 =	vld.idx.msk [tilespmem:v10+s16+$0x0], $0xffff;
	v7 =	vbroadcast v7, $0x0;
	v8 =	vsel vm1, v11, v8  }
.LBB2_9:
0x11e: {  	p1 =	slt.u32 s11, $0xC4;
	v6 =	vld.idx.msk [tilespmem:v6+s16+$0x0], $0xffff;
	v8 =	vmul.f32 $8.000000000e+00, v8;
	[tilespmem:s30+$0x20] =	vst v9  }
0x11f: {  	v3 =	vsel vm2, v3, v4;
	v4 =	vld [tilespmem:s0+$0x30]  }
0x120: {  	[tilespmem:s30+$0xFFFFFF20] =	vst v8;
	v3 =	vmul.f32 $8.000000000e+00, v3;
	v8 =	vld [tilespmem:s0+$0x70]  }
0x121: {  	v9 =	vld [tilespmem:s0+$0xFFFFFF30];
	v1 =	vsel vm3, v1, v2  }
0x122: {  	v2 =	vld [tilespmem:s0+$0xFFFFFF70];
	[tilespmem:s30+$0xFFFFFFA0] =	vst v3;
	v1 =	vmul.f32 $8.000000000e+00, v1  }
0x123: {  	v3 =	vld.idx.msk [tilespmem:v7+s16+$0x0], $0xffff  }
0x124: {  	s0 =	sadd.s32 $0x200, s0;
	v7 =	vld [tilespmem:s7+$0xFFFFFFB0];
	[tilespmem:s30+$0xA0] =	vst v1  }
0x125: {  	v1 =	vld [tilespmem:s0+$0x0];
	v4 =	vsel vm0, v4, v8  }
0x126: {  	v8 =	vld [tilespmem:s0+$0x40];
	v4 =	vmul.f32 $8.000000000e+00, v4  }
0x127: {  	v10 =	vld [tilespmem:s0+$0xFFFFFF00];
	v2 =	vsel vm1, v9, v2  }
0x128: {  	v9 =	vld [tilespmem:s0+$0xFFFFFF40];
	v2 =	vmul.f32 $8.000000000e+00, v2;
	[tilespmem:s30+$0x30] =	vst v4  }
0x129: {  	v3 =	vand.u32 $0x1, v3;
	v4 =	vld [tilespmem:s0+$0xFFFFFF80]  }
0x12a: {  	vm0 =	veq.s32 v3, $0x0;
	v11 =	vld [tilespmem:s0+$0xFFFFFFC0];
	[tilespmem:s30+$0xFFFFFF30] =	vst v2  }
0x12b: {  	v2 =	vand.u32 $0x1, v5;
	v1 =	vsel vm0, v1, v8;
	v3 =	vld [tilespmem:s0+$0x80]  }
0x12c: {  	vm1 =	veq.s32 v2, $0x0;
	v1 =	vmul.f32 $8.000000000e+00, v1;
	v2 =	vld [tilespmem:s0+$0xC0]  }
0x12d: {  	v6 =	vand.u32 $0x1, v6;
	s30 =	sadd.s32 $0x200, s30;
	v5 =	vsel vm1, v10, v9;
	v8 =	vld [tilespmem:s7+$0xFFFFFFF0]  }
0x12e: {  	vm5 =	veq.s32 v6, $0x0;
	v5 =	vmul.f32 $8.000000000e+00, v5;
	[tilespmem:s30+$0x0] =	vst v1;
	v1 =	vld [tilespmem:s7+$0xB0]  }
0x12f: {  	v0 =	vand.u32 $0x1, v0;
	v4 =	vsel vm5, v4, v11;
	v6 =	vld [tilespmem:s0+$0x10]  }
0x130: {  	vm4 =	veq.s32 v0, $0x0;
	[tilespmem:s30+$0xFFFFFF00] =	vst v5;
	v4 =	vmul.f32 $8.000000000e+00, v4;
	v5 =	vld [tilespmem:s0+$0x50]  }
0x131: {  	v0 =	vld [tilespmem:s0+$0xFFFFFF10];
	v2 =	vsel vm4, v3, v2  }
0x132: {  	s6 =	sadd.s32 $0x3, s11;
	v3 =	vld [tilespmem:s0+$0xFFFFFF50];
	[tilespmem:s30+$0xFFFFFF80] =	vst v4;
	v2 =	vmul.f32 $8.000000000e+00, v2;
	v4 =	vsel vm2, v7, v8;
	vm2 =	vmmov vm5  }
0x133: {  	v7 =	vmov s6;
	v8 =	vld [tilespmem:s0+$0xFFFFFF90];
	v4 =	vmul.f32 $8.000000000e+00, v4  }
0x134: {  	v9 =	vld [tilespmem:s0+$0xFFFFFFD0];
	[tilespmem:s30+$0x80] =	vst v2  }
0x135: {  	v2 =	vsel vm0, v6, v5;
	v5 =	vld [tilespmem:s0+$0x90];
	[tilespmem:s1+$0xFFFFFFB0] =	vst v4  }
0x136: {  	v2 =	vmul.f32 $8.000000000e+00, v2;
	v4 =	vld [tilespmem:s0+$0xD0]  }
0x137: {  	v3 =	vsel vm1, v0, v3;
	v10 =	vld [tilespmem:s7+$0xF0];
	s7 =	smov.u32 s0  }
0x138: {  	v0 =	vld.idx.msk [tilespmem:v7+s16+$0x0], $0xffff;
	v3 =	vmul.f32 $8.000000000e+00, v3;
	[tilespmem:s30+$0x10] =	vst v2  }
0x139: {  	s6 =	sadd.s32 $0x1, s11;
	v2 =	vmov s11;
	v6 =	vsel vm2, v8, v9;
	v7 =	vld [tilespmem:s0+$0x20]  }
0x13a: {  	v2 =	vand.u32 $0xFFFFFFFC, v2;
	v8 =	vmov s6;
	[tilespmem:s30+$0xFFFFFF10] =	vst v3;
	v3 =	vmul.f32 $8.000000000e+00, v6;
	v9 =	vld [tilespmem:s0+$0x60]  }
0x13b: {  	v11 =	vbroadcast v2, $0x0;
	v2 =	vand.u32 $0xFFFFFFFD, v8;
	v8 =	vld [tilespmem:s0+$0xFFFFFF20];
	v4 =	vsel vm4, v5, v4  }
0x13c: {  	v6 =	vbroadcast v2, $0x0;
	v12 =	vld [tilespmem:s0+$0xFFFFFF60];
	[tilespmem:s30+$0xFFFFFF90] =	vst v3;
	v2 =	vmul.f32 $8.000000000e+00, v4;
	v1 =	vsel vm3, v1, v10  }
.Ltmp6:
0x13d: {  	vm3 =	vmmov vm4;
	v3 =	vld [tilespmem:s0+$0xFFFFFFA0];
	v5 =	vmul.f32 $8.000000000e+00, v1;
	(pc) =	sbr.rel @p1 .LBB2_9-.Ltmp6, $4  }
0x13e: {  	s6 =	sadd.s32 $0x2, s11;
	v4 =	vld [tilespmem:s0+$0xFFFFFFE0];
	[tilespmem:s30+$0x90] =	vst v2  }
0x13f: {  	v2 =	vmov s6;
	v7 =	vsel vm0, v7, v9;
	v1 =	vld [tilespmem:s0+$0xA0];
	[tilespmem:s1+$0xB0] =	vst v5;
	s1 =	smov.u32 s30  }
0x140: {  	v10 =	vand.u32 $0xFFFFFFFE, v2;
	v9 =	vmul.f32 $8.000000000e+00, v7;
	v2 =	vld [tilespmem:s0+$0xE0]  }
0x141: {  	s11 =	sadd.s32 $0x4, s11;
	v7 =	vbroadcast v10, $0x0;
	v5 =	vld.idx.msk [tilespmem:v11+s16+$0x0], $0xffff;
	v8 =	vsel vm1, v8, v12  }
0x142: {  	_ =	sdelay $0x3  }
0x143: {  	v6 =	vld.idx.msk [tilespmem:v6+s16+$0x0], $0xffff;
	[tilespmem:s30+$0x20] =	vst v9  }
0x144: {  	v9 =	vld [tilespmem:s0+$0x30]  }
0x145: {  	v10 =	vld [tilespmem:s0+$0x70]  }
0x146: {  	s6 =	sadd.s32 $0x200, s0;
	v7 =	vld.idx.msk [tilespmem:v7+s16+$0x0], $0xffff  }
0x147: {  	v13 =	vld [tilespmem:s6+$0xFFFFFF00]  }
0x148: {  	v14 =	vld [tilespmem:s6+$0xFFFFFF40]  }
0x149: {  	v19 =	vld [tilespmem:s6+$0x80]  }
0x14a: {  	v21 =	vld [tilespmem:s6+$0xC0]  }
0x14b: {  	v11 =	vld [tilespmem:s6+$0x0];
	v5 =	vand.u32 $0x1, v5  }
0x14c: {  	v8 =	vmul.f32 $8.000000000e+00, v8;
	v12 =	vld [tilespmem:s6+$0x40];
	vm5 =	veq.s32 v5, $0x0  }
0x14d: {  	v0 =	vand.u32 $0x1, v0;
	v15 =	vld [tilespmem:s6+$0xFFFFFF80];
	v13 =	vsel vm5, v13, v14  }
0x14e: {  	v18 =	vld [tilespmem:s6+$0xFFFFFFC0];
	vm7 =	veq.s32 v0, $0x0;
	[tilespmem:s30+$0xFFFFFF20] =	vst v8;
	v24 =	vmul.f32 $8.000000000e+00, v13  }
0x14f: {  	s11 =	sadd.s32 $0x200, s30;
	v22 =	vld [tilespmem:s0+$0xFFFFFF30];
	v7 =	vand.u32 $0x1, v7;
	v8 =	vsel vm7, v19, v21  }
0x150: {  	v23 =	vld [tilespmem:s0+$0xFFFFFF70];
	vm4 =	veq.s32 v7, $0x0;
	v30 =	vmul.f32 $8.000000000e+00, v8;
	[tilespmem:s11+$0xFFFFFF00] =	vst v24  }
0x151: {  	v6 =	vand.u32 $0x1, v6;
	v11 =	vsel vm4, v11, v12;
	v28 =	vld [tilespmem:s6+$0xFFFFFF10]  }
0x152: {  	vm6 =	veq.s32 v6, $0x0;
	v20 =	vmul.f32 $8.000000000e+00, v11;
	[tilespmem:s11+$0x80] =	vst v30;
	v29 =	vld [tilespmem:s6+$0xFFFFFF50]  }
0x153: {  	v6 =	vsel vm6, v15, v18;
	v34 =	vld [tilespmem:s6+$0x90]  }
0x154: {  	v26 =	vmul.f32 $8.000000000e+00, v6;
	v36 =	vld [tilespmem:s6+$0xD0];
	[tilespmem:s11+$0x0] =	vst v20  }
0x155: {  	v3 =	vsel vm2, v3, v4;
	v25 =	vld [tilespmem:s6+$0x10]  }
0x156: {  	v3 =	vmul.f32 $8.000000000e+00, v3;
	[tilespmem:s11+$0xFFFFFF80] =	vst v26;
	v27 =	vld [tilespmem:s6+$0x50]  }
0x157: {  	v31 =	vld [tilespmem:s6+$0xFFFFFF90];
	v0 =	vsel vm5, v28, v29  }
0x158: {  	[tilespmem:s30+$0xFFFFFFA0] =	vst v3;
	v32 =	vld [tilespmem:s6+$0xFFFFFFD0];
	v0 =	vmul.f32 $8.000000000e+00, v0  }
0x159: {  	v37 =	vld [tilespmem:s7+$0xFFFFFFB0];
	v5 =	vsel vm7, v34, v36  }
0x15a: {  	v38 =	vld [tilespmem:s7+$0xFFFFFFF0];
	v45 =	vmul.f32 $8.000000000e+00, v5;
	[tilespmem:s11+$0xFFFFFF10] =	vst v0  }
0x15b: {  	v33 =	vsel vm4, v25, v27;
	v43 =	vld [tilespmem:s6+$0xFFFFFF20]  }
0x15c: {  	vm6 =	vmmov vm6;
	v35 =	vmul.f32 $8.000000000e+00, v33;
	[tilespmem:s11+$0x90] =	vst v45;
	v44 =	vld [tilespmem:s6+$0xFFFFFF60]  }
0x15d: {  	v39 =	vsel vm6, v31, v32;
	v49 =	vld [tilespmem:s6+$0xA0]  }
0x15e: {  	v41 =	vmul.f32 $8.000000000e+00, v39;
	v50 =	vld [tilespmem:s6+$0xE0];
	[tilespmem:s11+$0x10] =	vst v35  }
0x15f: {  	v1 =	vsel vm3, v1, v2;
	v40 =	vld [tilespmem:s6+$0x20]  }
0x160: {  	v1 =	vmul.f32 $8.000000000e+00, v1;
	[tilespmem:s11+$0xFFFFFF90] =	vst v41;
	v42 =	vld [tilespmem:s6+$0x60]  }
0x161: {  	v46 =	vld [tilespmem:s6+$0xFFFFFFA0];
	v6 =	vsel vm5, v43, v44  }
0x162: {  	[tilespmem:s30+$0xA0] =	vst v1;
	vm7 =	vmmov vm7;
	v47 =	vld [tilespmem:s6+$0xFFFFFFE0];
	v6 =	vmul.f32 $8.000000000e+00, v6  }
0x163: {  	v51 =	vld [tilespmem:s7+$0xB0];
	v1 =	vsel vm7, v49, v50  }
0x164: {  	v52 =	vld [tilespmem:s7+$0xF0];
	v57 =	vmul.f32 $8.000000000e+00, v1;
	[tilespmem:s11+$0xFFFFFF20] =	vst v6  }
0x165: {  	v48 =	vsel vm4, v40, v42;
	v6 =	vld [tilespmem:s6+$0xFFFFFF30]  }
0x166: {  	v0 =	vmul.f32 $8.000000000e+00, v48;
	[tilespmem:s11+$0xA0] =	vst v57;
	v56 =	vld [tilespmem:s6+$0xFFFFFF70]  }
0x167: {  	v53 =	vsel vm6, v46, v47;
	v61 =	vld [tilespmem:s6+$0xB0]  }
0x168: {  	v62 =	vld [tilespmem:s6+$0xF0];
	[tilespmem:s11+$0x20] =	vst v0;
	v0 =	vmul.f32 $8.000000000e+00, v53  }
0x169: {  	v54 =	vld [tilespmem:s6+$0x30]  }
0x16a: {  	v9 =	vsel vm0, v9, v10;
	v55 =	vld [tilespmem:s6+$0x70];
	[tilespmem:s11+$0xFFFFFFA0] =	vst v0  }
0x16b: {  	v9 =	vmul.f32 $8.000000000e+00, v9;
	v60 =	vsel vm1, v22, v23;
	v58 =	vld [tilespmem:s6+$0xFFFFFFB0]  }
0x16c: {  	v10 =	vmul.f32 $8.000000000e+00, v60;
	v7 =	vsel vm2, v37, v38;
	v59 =	vld [tilespmem:s6+$0xFFFFFFF0]  }
0x16d: {  	[tilespmem:s30+$0x30] =	vst v9;
	v7 =	vmul.f32 $8.000000000e+00, v7;
	v4 =	vsel vm3, v51, v52  }
0x16e: {  	[tilespmem:s30+$0xFFFFFF30] =	vst v10;
	v4 =	vmul.f32 $8.000000000e+00, v4;
	v3 =	vsel vm5, v6, v56  }
0x16f: {  	[tilespmem:s1+$0xFFFFFFB0] =	vst v7;
	v63 =	vsel vm7, v61, v62;
	v3 =	vmul.f32 $8.000000000e+00, v3  }
0x170: {  	[tilespmem:s1+$0xB0] =	vst v4;
	v1 =	vmul.f32 $8.000000000e+00, v63;
	v2 =	vsel vm4, v54, v55  }
.Ltmp7:
0x171: {  	s31 =	sadd.s32 s8, s29;
	v2 =	vmul.f32 $8.000000000e+00, v2;
	[tilespmem:s11+$0xFFFFFF30] =	vst v3;
	v0 =	vsel vm6, v58, v59;
	(pc) =	sbr.rel @p0 .LBB2_12-.Ltmp7, $4  }
0x172: {  	s0 =	smul.u32 $0xC80, s31;
	[tilespmem:s11+$0xB0] =	vst v1;
	v0 =	vmul.f32 $8.000000000e+00, v0  }
0x173: {  	[tilespmem:s11+$0x30] =	vst v2  }
0x174: {  	s0 =	sadd.s32 s5, s0;
	[tilespmem:s11+$0xFFFFFFB0] =	vst v0  }
0x175: {  	[hbm4b:s0+s3] =	stream.linear.scatter [tilespmem:s24], [sflag:$0x6], $0x6400, $0x38;
	[tilespmem:$0x19400] =	vst v63  }
0x176: {  	s0 =	smul.u32 $0x190, s28  }
.Ltmp8:
0x177: {  	_ = 	snop;
	(pc) =	sbr.rel .LBB2_2-.Ltmp8, $4  }
0x178: {  	s0 =	sadd.s32 s0, s10  }
0x179: {  	s0 =	sshrl.u32 s0, $0x3  }
0x17a: {  	s28 =	sadd.s32 $0x1, s28;
	s0 =	sadd.s32 s2, s0  }
0x17b: {  	[tilespmem:s16], [sflag:$0x2] =	stream.linear.gather [hbm4b:s0+s3], $0xC8, $0x38;
	[tilespmem:$0x19400] =	vst v63  }
.LBB2_13:
0x17c: {  	_ =	sfence.sel $0x180000  }
0x17d: {  	[bflag:$0x0] =	sbarrier.arrive $0xFFFF  }
0x17e: {  	_ =	strace $0x90000047  }
0x17f: {  	s0 =	stileid.u32;
	[bflag:$0x2] =	sbarrier.arrive $0xFFFF  }
0x180: {  	p0 =	sne.s32 s0, $0x0;
	s0 =	rddreg [dreg:$0x2]  }
0x181: {  	s0 =	sadd.s32 @!p0 $0x100000, s0  }
0x182: {  	[sflag:s0] =	ssyncadd.tile.s32 @!p0 $0x1;
	_ =	shalt  }
.Lfunc_end2:
_tile_overlayer_lowered:
.L_overlay_start_2:
0x183: {  	(tag) =	ssettag $0x2  }
0x184: {  	s0 =	rddreg [dreg:$0x0];
	s2 =	stileid.u32  }
0x185: {  	s1 =	rddreg [dreg:$0x1];
	p0 =	sne.s32 s2, $0x0  }
0x186: {  	s3 =	rddreg [dreg:$0x2];
	[bflag:$0x3] =	sbarrier.arrive $0xFFFF;
	s2 =	simm.s32 @!p0 $0x1C07  }
0x187: {  	[timem:s3], [sflag:s2] =	dma.local @!p0 [hbm:s0], s1  }
0x188: {  	s0 =	simm.s32 @!p0 $0x7  }
0x189: {  	_ =	swait.ge @!p0 [sflag:s0], s1  }
0x18a: {  	s1 =	ssub.s32 @!p0 $0x0, s1;
	[sflag:s0] =	ssyncset.done @!p0 $0x0  }
0x18b: {  	[sflag:s0] =	ssyncadd.s32 @!p0 s1  }
0x18c: {  	[bflag:$0x3] =	sbarrier.arrive $0xFFFF  }
0x18d: {  	_ =	shalt  }

</sc_bundles>
